<compile_context>
chip_gen: v7x
topology: tpu7x:2x2x1
jax: 0.10.2.dev20260603
libtpu: 0.0.44.dev20260713+nightly
codegen_flags: <defaults>
</compile_context>

<pallas_src>
import functools

import jax
import jax.numpy as jnp
from jax import lax
from jax.experimental import pallas as pl
from jax.experimental.pallas import tpu as pltpu
from jax.experimental.pallas import tpu_sc as plsc

N = 10000
E = 320000
D = 128
DE = 16
H = 128
M = 64
MW = 128
DOUT = 128

NC = 2
NS = 16
NW = NC * NS
GSZ = 128
G = E // GSZ
NPAD = 10112
NPT = NPAD // NS


_SC_MESH = plsc.VectorSubcoreMesh(
    core_axis_name="c", subcore_axis_name="s", num_cores=NC, num_subcores=NS
)


XCH = 632
GG = 64
GN = E // GG


def _gather_body(x_hbm, ei0_hbm, ei1_hbm, src_hbm, tgt_hbm,
                 x_sh, idx0a, idx1a, idx0b, idx1b,
                 buf0a, buf1a, buf0b, buf1b,
                 sa0, sa1, sb0, sb1):
    s = lax.axis_index("s")
    wid = lax.axis_index("c") * NS + s

    @pl.when(s < NS - 1)
    def _():
        pltpu.sync_copy(x_hbm.at[pl.ds(s * XCH, XCH)],
                        x_sh.at[pl.ds(s * XCH, XCH)])

    @pl.when(s == NS - 1)
    def _():
        pltpu.sync_copy(x_hbm.at[pl.ds((NS - 1) * XCH, N - (NS - 1) * XCH)],
                        x_sh.at[pl.ds((NS - 1) * XCH, N - (NS - 1) * XCH)])

    plsc.subcore_barrier()

    npairs = (GN + 2 * NW - 1) // (2 * NW)

    def eoff(j):
        return (wid + NW * j) * GG

    def valid(j):
        return wid + NW * j < GN

    def load_idx(j, i0, i1, s0, s1):
        @pl.when(valid(j))
        def _():
            pltpu.async_copy(ei0_hbm.at[pl.ds(eoff(j), GG)], i0, s0)
            pltpu.async_copy(ei1_hbm.at[pl.ds(eoff(j), GG)], i1, s1)

    def gather(j, i0, i1, b0, b1, s0, s1):
        @pl.when(valid(j))
        def _():
            pltpu.make_async_copy(ei0_hbm.at[pl.ds(eoff(j), GG)], i0,
                                  s0).wait()
            pltpu.make_async_copy(ei1_hbm.at[pl.ds(eoff(j), GG)], i1,
                                  s1).wait()
            pltpu.async_copy(x_sh.at[i0], b0, s0)
            pltpu.async_copy(x_sh.at[i1], b1, s1)

    def write(j, i0, i1, b0, b1, s0, s1):
        @pl.when(valid(j))
        def _():
            pltpu.make_async_copy(x_sh.at[i0], b0, s0).wait()
            pltpu.make_async_copy(x_sh.at[i1], b1, s1).wait()
            pltpu.async_copy(b0, src_hbm.at[pl.ds(eoff(j), GG)], s0)
            pltpu.async_copy(b1, tgt_hbm.at[pl.ds(eoff(j), GG)], s1)

    def drain(j, b0, b1, s0, s1):
        @pl.when(valid(j))
        def _():
            pltpu.make_async_copy(b0, src_hbm.at[pl.ds(eoff(j), GG)],
                                  s0).wait()
            pltpu.make_async_copy(b1, tgt_hbm.at[pl.ds(eoff(j), GG)],
                                  s1).wait()

    @pl.loop(0, npairs)
    def _(p):
        ja = 2 * p
        jb = 2 * p + 1
        load_idx(ja, idx0a, idx1a, sa0, sa1)
        load_idx(jb, idx0b, idx1b, sb0, sb1)
        gather(ja, idx0a, idx1a, buf0a, buf1a, sa0, sa1)
        gather(jb, idx0b, idx1b, buf0b, buf1b, sb0, sb1)
        write(ja, idx0a, idx1a, buf0a, buf1a, sa0, sa1)
        write(jb, idx0b, idx1b, buf0b, buf1b, sb0, sb1)
        drain(ja, buf0a, buf1a, sa0, sa1)
        drain(jb, buf0b, buf1b, sb0, sb1)


_sc_gather = functools.partial(
    pl.kernel,
    out_type=(
        jax.ShapeDtypeStruct((E, D), jnp.float32),
        jax.ShapeDtypeStruct((E, D), jnp.float32),
    ),
    mesh=_SC_MESH,
    scratch_types=[
        pltpu.VMEM_SHARED((N, D), jnp.float32),
        pltpu.VMEM((GG,), jnp.int32),
        pltpu.VMEM((GG,), jnp.int32),
        pltpu.VMEM((GG,), jnp.int32),
        pltpu.VMEM((GG,), jnp.int32),
        pltpu.VMEM((GG, D), jnp.float32),
        pltpu.VMEM((GG, D), jnp.float32),
        pltpu.VMEM((GG, D), jnp.float32),
        pltpu.VMEM((GG, D), jnp.float32),
        pltpu.SemaphoreType.DMA,
        pltpu.SemaphoreType.DMA,
        pltpu.SemaphoreType.DMA,
        pltpu.SemaphoreType.DMA,
    ],
)(_gather_body)


def _mlp_body(src_ref, tgt_ref, ea_ref, w1a_ref, w1b_ref, w1c_ref, b1_ref,
              w2_ref, b2_ref, mf_ref, mr_ref):
    diff = tgt_ref[...] - src_ref[...]
    d2 = diff * diff
    t1 = jnp.dot(diff, w1a_ref[...], preferred_element_type=jnp.float32)
    t2 = jnp.dot(d2, w1b_ref[...], preferred_element_type=jnp.float32)
    t3 = jnp.dot(ea_ref[...], w1c_ref[...], preferred_element_type=jnp.float32)
    even = t2 + b1_ref[...]
    odd = t1 + t3
    hf = jnp.maximum(even + odd, 0.0)
    hr = jnp.maximum(even - odd, 0.0)
    b2 = b2_ref[...]
    w2 = w2_ref[...]
    mf = jnp.maximum(jnp.dot(hf, w2, preferred_element_type=jnp.float32) + b2, 0.0)
    mr = jnp.maximum(jnp.dot(hr, w2, preferred_element_type=jnp.float32) + b2, 0.0)
    be = mf.shape[0]
    lane = jax.lax.broadcasted_iota(jnp.int32, (be, MW - M), 1)
    pad = jnp.where(lane == 0, 1.0, 0.0).astype(jnp.float32)
    mf_ref[...] = jnp.concatenate([mf, pad], axis=1)
    mr_ref[...] = jnp.concatenate([mr, pad], axis=1)


def _tc_mlp(src, tgt, ea, w1a, w1b, w1c, b1, w2, b2):
    BE = 1280
    nblk = E // BE
    return pl.pallas_call(
        _mlp_body,
        grid=(nblk,),
        in_specs=[
            pl.BlockSpec((BE, D), lambda i: (i, 0)),
            pl.BlockSpec((BE, D), lambda i: (i, 0)),
            pl.BlockSpec((BE, DE), lambda i: (i, 0)),
            pl.BlockSpec((D, H), lambda i: (0, 0)),
            pl.BlockSpec((D, H), lambda i: (0, 0)),
            pl.BlockSpec((DE, H), lambda i: (0, 0)),
            pl.BlockSpec((1, H), lambda i: (0, 0)),
            pl.BlockSpec((H, M), lambda i: (0, 0)),
            pl.BlockSpec((1, M), lambda i: (0, 0)),
        ],
        out_specs=[
            pl.BlockSpec((BE, MW), lambda i: (i, 0)),
            pl.BlockSpec((BE, MW), lambda i: (i, 0)),
        ],
        out_shape=[
            jax.ShapeDtypeStruct((E, MW), jnp.float32),
            jax.ShapeDtypeStruct((E, MW), jnp.float32),
        ],
    )(src, tgt, ea, w1a, w1b, w1c, b1, w2, b2)


SG = 64
SGN = E // SG
SPC = SGN // NC


def _scatter_body(mf_hbm, mr_hbm, ei0_hbm, ei1_hbm, z_hbm, s_hbm,
                  s_sh, i0a, i1a, i0b, i1b, i0c, i1c,
                  vfa, vra, vfb, vrb, vfc, vrc,
                  qa, qb, qc, ra, rb, rc):
    c = lax.axis_index("c")
    s = lax.axis_index("s")

    pltpu.sync_copy(z_hbm.at[pl.ds(s * NPT, NPT)], s_sh.at[pl.ds(s * NPT, NPT)])
    plsc.subcore_barrier()

    ntrips = (SPC + 3 * NS - 1) // (3 * NS)

    def eoff(j):
        return (c * SPC + s + NS * j) * SG

    def valid(j):
        return s + NS * j < SPC

    def load(j, i0, i1, vf, vr, q):
        @pl.when(valid(j))
        def _():
            e0 = eoff(j)
            pltpu.async_copy(ei0_hbm.at[pl.ds(e0, SG)], i0, q)
            pltpu.async_copy(ei1_hbm.at[pl.ds(e0, SG)], i1, q)
            pltpu.async_copy(mf_hbm.at[pl.ds(e0, SG)], vf, q)
            pltpu.async_copy(mr_hbm.at[pl.ds(e0, SG)], vr, q)

    def add(j, i0, i1, vf, vr, q, r):
        @pl.when(valid(j))
        def _():
            e0 = eoff(j)
            pltpu.make_async_copy(ei0_hbm.at[pl.ds(e0, SG)], i0, q).wait()
            pltpu.make_async_copy(ei1_hbm.at[pl.ds(e0, SG)], i1, q).wait()
            pltpu.make_async_copy(mf_hbm.at[pl.ds(e0, SG)], vf, q).wait()
            pltpu.make_async_copy(mr_hbm.at[pl.ds(e0, SG)], vr, q).wait()
            pltpu.async_copy(vf, s_sh.at[i1], r, add=True)
            pltpu.async_copy(vr, s_sh.at[i0], r, add=True)

    def drain(j, i0, i1, vf, vr, r):
        @pl.when(valid(j))
        def _():
            pltpu.make_async_copy(vf, s_sh.at[i1], r).wait()
            pltpu.make_async_copy(vr, s_sh.at[i0], r).wait()

    @pl.loop(0, ntrips)
    def _(p):
        ja = 3 * p
        jb = 3 * p + 1
        jc = 3 * p + 2
        load(ja, i0a, i1a, vfa, vra, qa)
        load(jb, i0b, i1b, vfb, vrb, qb)
        load(jc, i0c, i1c, vfc, vrc, qc)
        add(ja, i0a, i1a, vfa, vra, qa, ra)
        add(jb, i0b, i1b, vfb, vrb, qb, rb)
        add(jc, i0c, i1c, vfc, vrc, qc, rc)
        drain(ja, i0a, i1a, vfa, vra, ra)
        drain(jb, i0b, i1b, vfb, vrb, rb)
        drain(jc, i0c, i1c, vfc, vrc, rc)

    plsc.subcore_barrier()
    pltpu.sync_copy(s_sh.at[pl.ds(s * NPT, NPT)], s_hbm.at[c, pl.ds(s * NPT, NPT)])


_sc_scatter = functools.partial(
    pl.kernel,
    out_type=jax.ShapeDtypeStruct((NC, NPAD, MW), jnp.float32),
    mesh=_SC_MESH,
    scratch_types=[
        pltpu.VMEM_SHARED((NPAD, MW), jnp.float32),
        pltpu.VMEM((SG,), jnp.int32),
        pltpu.VMEM((SG,), jnp.int32),
        pltpu.VMEM((SG,), jnp.int32),
        pltpu.VMEM((SG,), jnp.int32),
        pltpu.VMEM((SG,), jnp.int32),
        pltpu.VMEM((SG,), jnp.int32),
        pltpu.VMEM((SG, MW), jnp.float32),
        pltpu.VMEM((SG, MW), jnp.float32),
        pltpu.VMEM((SG, MW), jnp.float32),
        pltpu.VMEM((SG, MW), jnp.float32),
        pltpu.VMEM((SG, MW), jnp.float32),
        pltpu.VMEM((SG, MW), jnp.float32),
        pltpu.SemaphoreType.DMA,
        pltpu.SemaphoreType.DMA,
        pltpu.SemaphoreType.DMA,
        pltpu.SemaphoreType.DMA,
        pltpu.SemaphoreType.DMA,
        pltpu.SemaphoreType.DMA,
    ],
)(_scatter_body)


def _final_body(x_ref, sp_ref, wua_ref, wub_ref, wuc_ref, bu_ref, out_ref):
    x = x_ref[...]
    acc = sp_ref[0] + sp_ref[1]
    ssum = acc[:, :M]
    cnt = jnp.maximum(acc[:, M:M + 1], 1.0)
    aggr = ssum / cnt
    out = jnp.dot(x, wua_ref[...], preferred_element_type=jnp.float32)
    out += jnp.dot(x * x, wub_ref[...], preferred_element_type=jnp.float32)
    out += jnp.dot(aggr, wuc_ref[...], preferred_element_type=jnp.float32)
    out_ref[...] = out + bu_ref[...]


def _tc_final(x, sp, wua, wub, wuc, bu):
    return pl.pallas_call(
        _final_body,
        out_shape=jax.ShapeDtypeStruct((N, DOUT), jnp.float32),
    )(x, sp, wua, wub, wuc, bu)


def kernel(x, edge_index, edge_attr, W1, b1, W2, b2, Wu, bu):
    ei0 = edge_index[0]
    ei1 = edge_index[1]

    w1a = W1[:D]
    w1b = W1[D:2 * D]
    w1c = W1[2 * D:]
    b1r = b1.reshape(1, H)
    b2r = b2.reshape(1, M)

    src, tgt = _sc_gather(x, ei0, ei1)
    mf, mr = _tc_mlp(src, tgt, edge_attr, w1a, w1b, w1c, b1r, W2, b2r)

    z = jnp.zeros((NPAD, MW), jnp.float32)
    sp = _sc_scatter(mf, mr, ei0, ei1, z)
    sp = sp[:, :N]

    wua = Wu[:D]
    wub = Wu[D:2 * D]
    wuc = Wu[2 * D:]
    bur = bu.reshape(1, DOUT)
    return _tc_final(x, sp, wua, wub, wuc, bur)

# --- scband reference (transcript-rebuilt; emitter-appended) ---
"""Pipeline reference for scband-single-mpstep-squared-3427383902964 (READ-ONLY COPY).

The authoritative reference and input builder live on the scoring server;
editing this copy changes nothing except your own understanding.
"""

import jax, jax.numpy as jnp
import numpy as np


def setup_inputs(seed: int = 0) -> dict:
    key = jax.random.key(seed)
    ks = jax.random.split(key, 9)
    N, E, D, DE, M, H, DOUT = 10000, 320000, 128, 16, 64, 128, 128
    x = jax.random.normal(ks[0], (N, D), dtype=jnp.float32)
    edge_index = jax.random.randint(ks[1], (2, E), 0, N, dtype=jnp.int32)
    edge_attr = jax.random.normal(ks[2], (E, DE), dtype=jnp.float32)
    W1 = jax.random.normal(ks[3], (2 * D + DE, H), dtype=jnp.float32) * 0.05
    b1 = jnp.zeros((H,), jnp.float32)
    W2 = jax.random.normal(ks[4], (H, M), dtype=jnp.float32) * 0.05
    b2 = jnp.zeros((M,), jnp.float32)
    Wu = jax.random.normal(ks[5], (2 * D + M, DOUT), dtype=jnp.float32) * 0.05
    bu = jnp.zeros((DOUT,), jnp.float32)
    return {"x": x, "edge_index": edge_index, "edge_attr": edge_attr,
            "W1": W1, "b1": b1, "W2": W2, "b2": b2, "Wu": Wu, "bu": bu}


def reference(x, edge_index, edge_attr, W1, b1, W2, b2, Wu, bu):
    # Symmetrize edges: concat original edges with reversed edges, negate edge_attr for reversed
    ei = jnp.concatenate([edge_index, jnp.stack([edge_index[1], edge_index[0]], axis=0)], axis=1)
    ea = jnp.concatenate([edge_attr, -edge_attr], axis=0)
    src = jnp.take(x, ei[0], axis=0)
    tgt = jnp.take(x, ei[1], axis=0)
    # DiffMessageSquared: phi([x_t - x_s, (x_t - x_s)^2, e_st]) -> MLP(272 -> 128 -> 64)
    diff = tgt - src
    msg_in = jnp.concatenate([diff, diff * diff, ea], axis=1)
    h = jax.nn.relu(msg_in @ W1 + b1)
    m_ij = jax.nn.relu(h @ W2 + b2)  # outer relu from forward
    # AggregateUpdate: mean-aggregate messages per target node, then gamma([x, x^2, aggr])
    tgt_idx = ei[1]
    N = x.shape[0]
    s = jax.ops.segment_sum(m_ij, tgt_idx, num_segments=N)
    cnt = jax.ops.segment_sum(jnp.ones((tgt_idx.shape[0],), jnp.float32), tgt_idx, num_segments=N)
    aggr = s / jnp.clip(cnt, 1.0, None)[:, None]
    x_cat = jnp.concatenate([x, x * x], axis=1)
    out = jnp.concatenate([x_cat, aggr], axis=1) @ Wu + bu
    return out

if __name__ == "__main__":
    import jax
    _d = setup_inputs()
    print(jax.jit(kernel)(*tuple(_d.values())))

</pallas_src>

<mosaic_0001>
#map = affine_map<(d0, d1) -> (0, 0)>
#map1 = affine_map<(d0, d1) -> (0)>
#map2 = affine_map<(d0, d1) -> (0, 0, 0)>
module attributes {stable_mosaic.version = 14 : i64} {
  func.func @_scatter_body(%arg0: i32, %arg1: i32, %arg2: memref<320000x128xf32, #tpu.memory_space<hbm>>, %arg3: memref<320000x128xf32, #tpu.memory_space<hbm>>, %arg4: memref<320000xi32, #tpu.memory_space<hbm>>, %arg5: memref<320000xi32, #tpu.memory_space<hbm>>, %arg6: memref<10112x128xf32, #tpu.memory_space<hbm>>, %arg7: memref<2x10112x128xf32, #tpu.memory_space<hbm>>, %arg8: memref<10112x128xf32, #tpu.memory_space<vmem_shared>>, %arg9: memref<64xi32, #tpu.memory_space<vmem>>, %arg10: memref<64xi32, #tpu.memory_space<vmem>>, %arg11: memref<64xi32, #tpu.memory_space<vmem>>, %arg12: memref<64xi32, #tpu.memory_space<vmem>>, %arg13: memref<64xi32, #tpu.memory_space<vmem>>, %arg14: memref<64xi32, #tpu.memory_space<vmem>>, %arg15: memref<64x128xf32, #tpu.memory_space<vmem>>, %arg16: memref<64x128xf32, #tpu.memory_space<vmem>>, %arg17: memref<64x128xf32, #tpu.memory_space<vmem>>, %arg18: memref<64x128xf32, #tpu.memory_space<vmem>>, %arg19: memref<64x128xf32, #tpu.memory_space<vmem>>, %arg20: memref<64x128xf32, #tpu.memory_space<vmem>>, %arg21: memref<!tpu.dma_semaphore, #tpu.memory_space<semaphore_mem>>, %arg22: memref<!tpu.dma_semaphore, #tpu.memory_space<semaphore_mem>>, %arg23: memref<!tpu.dma_semaphore, #tpu.memory_space<semaphore_mem>>, %arg24: memref<!tpu.dma_semaphore, #tpu.memory_space<semaphore_mem>>, %arg25: memref<!tpu.dma_semaphore, #tpu.memory_space<semaphore_mem>>, %arg26: memref<!tpu.dma_semaphore, #tpu.memory_space<semaphore_mem>>) attributes {dimension_semantics = [#tpu.dimension_semantics<core_parallel>, #tpu.dimension_semantics<subcore_parallel>], iteration_bounds = array<i64: 2, 16>, scalar_prefetch = 0 : i64, scratch_operands = 19 : i64, tpu.core_type = #tpu.core_type<sc_vector_subcore>, window_params = [{transform_indices = #map}, {transform_indices = #map}, {transform_indices = #map1}, {transform_indices = #map1}, {transform_indices = #map}, {transform_indices = #map2}]} {
    %mul3A = arith.constant 632 : i32
    %mul3A_0 = arith.muli %arg1, %mul3A : i32
    %mul3A_1 = arith.constant 632 : i32
    %mul3A_2 = arith.muli %arg1, %mul3A_1 : i32
    "tpu.region"() ({
      %run_scoped3A = tpu.sem_alloc : memref<!tpu.dma_semaphore, #tpu.memory_space<semaphore_mem>>
      %dma_start3A = arith.constant 0 : i32
      %dma_start3A_12 = tpu.memref_slice %arg8[%mul3A_2, %dma_start3A] : memref<10112x128xf32, #tpu.memory_space<vmem_shared>> -> memref<632x128xf32, #tpu.memory_space<vmem_shared>>
      %dma_start3A_13 = arith.constant 0 : i32
      %dma_start3A_14 = tpu.memref_slice %arg6[%mul3A_0, %dma_start3A_13] : memref<10112x128xf32, #tpu.memory_space<hbm>> -> memref<632x128xf32, #tpu.memory_space<hbm>>
      tpu.enqueue_dma source(%dma_start3A_14 : memref<632x128xf32, #tpu.memory_space<hbm>>) target(%dma_start3A_12 : memref<632x128xf32, #tpu.memory_space<vmem_shared>>) target_semaphore(%run_scoped3A : memref<!tpu.dma_semaphore, #tpu.memory_space<semaphore_mem>>)
      %dma_wait3A = arith.constant 0 : i32
      %dma_wait3A_15 = tpu.memref_slice %arg8[%mul3A_2, %dma_wait3A] : memref<10112x128xf32, #tpu.memory_space<vmem_shared>> -> memref<632x128xf32, #tpu.memory_space<vmem_shared>>
      %dma_wait3A_16 = arith.constant 0 : i32
      %dma_wait3A_17 = tpu.memref_slice %arg6[%mul3A_0, %dma_wait3A_16] : memref<10112x128xf32, #tpu.memory_space<hbm>> -> memref<632x128xf32, #tpu.memory_space<hbm>>
      tpu.wait_dma2 semaphore(%run_scoped3A : memref<!tpu.dma_semaphore, #tpu.memory_space<semaphore_mem>>) src(%dma_wait3A_17 : memref<632x128xf32, #tpu.memory_space<hbm>>) dst(%dma_wait3A_15 : memref<632x128xf32, #tpu.memory_space<vmem_shared>>)
      tpu.yield
    }) : () -> ()
    %barrier3A = arith.constant 0 : index
    tpu.barrier barrier_id(%barrier3A)
    %scan3A = arith.constant 0 : i32
    %scan3A_3 = arith.constant 53 : i32
    %scan3A_4 = arith.addi %scan3A, %scan3A_3 : i32
    %scan3A_5 = arith.constant 1 : i32
    scf.for %scan3A_12 = %scan3A to %scan3A_4 step %scan3A_5  : i32 {
      %mul3A_13 = arith.constant 1 : i32
      %mul3A_14 = arith.muli %scan3A_12, %mul3A_13 : i32
      %add3A = arith.constant 0 : i32
      %add3A_15 = arith.addi %add3A, %mul3A_14 : i32
      %mul3A_16 = arith.constant 3 : i32
      %mul3A_17 = arith.muli %mul3A_16, %add3A_15 : i32
      %mul3A_18 = arith.constant 3 : i32
      %mul3A_19 = arith.muli %mul3A_18, %add3A_15 : i32
      %add3A_20 = arith.constant 1 : i32
      %add3A_21 = arith.addi %mul3A_19, %add3A_20 : i32
      %mul3A_22 = arith.constant 3 : i32
      %mul3A_23 = arith.muli %mul3A_22, %add3A_15 : i32
      %add3A_24 = arith.constant 2 : i32
      %add3A_25 = arith.addi %mul3A_23, %add3A_24 : i32
      %mul3A_26 = arith.constant 16 : i32
      %mul3A_27 = arith.muli %mul3A_26, %mul3A_17 : i32
      %add3A_28 = arith.addi %arg1, %mul3A_27 : i32
      %lt3A = arith.constant 2500 : i32
      %lt3A_29 = arith.cmpi slt, %add3A_28, %lt3A : i32
      %convert_element_type3A = arith.extui %lt3A_29 : i1 to i32
      %cond3A = arith.constant 0 : i32
      %cond3A_30 = arith.cmpi ne, %convert_element_type3A, %cond3A : i32
      scf.if %cond3A_30 {
        %mul3A_95 = arith.constant 2500 : i32
        %mul3A_96 = arith.muli %arg0, %mul3A_95 : i32
        %add3A_97 = arith.addi %mul3A_96, %arg1 : i32
        %mul3A_98 = arith.constant 16 : i32
        %mul3A_99 = arith.muli %mul3A_98, %mul3A_17 : i32
        %add3A_100 = arith.addi %add3A_97, %mul3A_99 : i32
        %mul3A_101 = arith.constant 64 : i32
        %mul3A_102 = arith.muli %add3A_100, %mul3A_101 : i32
        %dma_start3A = tpu.memref_slice %arg4[%mul3A_102] : memref<320000xi32, #tpu.memory_space<hbm>> -> memref<64xi32, #tpu.memory_space<hbm>>
        %dma_start3A_103 = tpu.memref_slice %arg4[%mul3A_102] : memref<320000xi32, #tpu.memory_space<hbm>> -> memref<64xi32, #tpu.memory_space<hbm>>
        tpu.enqueue_dma source(%dma_start3A_103 : memref<64xi32, #tpu.memory_space<hbm>>) target(%arg9 : memref<64xi32, #tpu.memory_space<vmem>>) target_semaphore(%arg21 : memref<!tpu.dma_semaphore, #tpu.memory_space<semaphore_mem>>)
        %dma_start3A_104 = tpu.memref_slice %arg5[%mul3A_102] : memref<320000xi32, #tpu.memory_space<hbm>> -> memref<64xi32, #tpu.memory_space<hbm>>
        %dma_start3A_105 = tpu.memref_slice %arg5[%mul3A_102] : memref<320000xi32, #tpu.memory_space<hbm>> -> memref<64xi32, #tpu.memory_space<hbm>>
        tpu.enqueue_dma source(%dma_start3A_105 : memref<64xi32, #tpu.memory_space<hbm>>) target(%arg10 : memref<64xi32, #tpu.memory_space<vmem>>) target_semaphore(%arg21 : memref<!tpu.dma_semaphore, #tpu.memory_space<semaphore_mem>>)
        %dma_start3A_106 = arith.constant 0 : i32
        %dma_start3A_107 = tpu.memref_slice %arg2[%mul3A_102, %dma_start3A_106] : memref<320000x128xf32, #tpu.memory_space<hbm>> -> memref<64x128xf32, #tpu.memory_space<hbm>>
        %dma_start3A_108 = arith.constant 0 : i32
        %dma_start3A_109 = tpu.memref_slice %arg2[%mul3A_102, %dma_start3A_108] : memref<320000x128xf32, #tpu.memory_space<hbm>> -> memref<64x128xf32, #tpu.memory_space<hbm>>
        tpu.enqueue_dma source(%dma_start3A_109 : memref<64x128xf32, #tpu.memory_space<hbm>>) target(%arg15 : memref<64x128xf32, #tpu.memory_space<vmem>>) target_semaphore(%arg21 : memref<!tpu.dma_semaphore, #tpu.memory_space<semaphore_mem>>)
        %dma_start3A_110 = arith.constant 0 : i32
        %dma_start3A_111 = tpu.memref_slice %arg3[%mul3A_102, %dma_start3A_110] : memref<320000x128xf32, #tpu.memory_space<hbm>> -> memref<64x128xf32, #tpu.memory_space<hbm>>
        %dma_start3A_112 = arith.constant 0 : i32
        %dma_start3A_113 = tpu.memref_slice %arg3[%mul3A_102, %dma_start3A_112] : memref<320000x128xf32, #tpu.memory_space<hbm>> -> memref<64x128xf32, #tpu.memory_space<hbm>>
        tpu.enqueue_dma source(%dma_start3A_113 : memref<64x128xf32, #tpu.memory_space<hbm>>) target(%arg16 : memref<64x128xf32, #tpu.memory_space<vmem>>) target_semaphore(%arg21 : memref<!tpu.dma_semaphore, #tpu.memory_space<semaphore_mem>>)
      } else {
      }
      %mul3A_31 = arith.constant 16 : i32
      %mul3A_32 = arith.muli %mul3A_31, %add3A_21 : i32
      %add3A_33 = arith.addi %arg1, %mul3A_32 : i32
      %lt3A_34 = arith.constant 2500 : i32
      %lt3A_35 = arith.cmpi slt, %add3A_33, %lt3A_34 : i32
      %convert_element_type3A_36 = arith.extui %lt3A_35 : i1 to i32
      %cond3A_37 = arith.constant 0 : i32
      %cond3A_38 = arith.cmpi ne, %convert_element_type3A_36, %cond3A_37 : i32
      scf.if %cond3A_38 {
        %mul3A_95 = arith.constant 2500 : i32
        %mul3A_96 = arith.muli %arg0, %mul3A_95 : i32
        %add3A_97 = arith.addi %mul3A_96, %arg1 : i32
        %mul3A_98 = arith.constant 16 : i32
        %mul3A_99 = arith.muli %mul3A_98, %add3A_21 : i32
        %add3A_100 = arith.addi %add3A_97, %mul3A_99 : i32
        %mul3A_101 = arith.constant 64 : i32
        %mul3A_102 = arith.muli %add3A_100, %mul3A_101 : i32
        %dma_start3A = tpu.memref_slice %arg4[%mul3A_102] : memref<320000xi32, #tpu.memory_space<hbm>> -> memref<64xi32, #tpu.memory_space<hbm>>
        %dma_start3A_103 = tpu.memref_slice %arg4[%mul3A_102] : memref<320000xi32, #tpu.memory_space<hbm>> -> memref<64xi32, #tpu.memory_space<hbm>>
        tpu.enqueue_dma source(%dma_start3A_103 : memref<64xi32, #tpu.memory_space<hbm>>) target(%arg11 : memref<64xi32, #tpu.memory_space<vmem>>) target_semaphore(%arg22 : memref<!tpu.dma_semaphore, #tpu.memory_space<semaphore_mem>>)
        %dma_start3A_104 = tpu.memref_slice %arg5[%mul3A_102] : memref<320000xi32, #tpu.memory_space<hbm>> -> memref<64xi32, #tpu.memory_space<hbm>>
        %dma_start3A_105 = tpu.memref_slice %arg5[%mul3A_102] : memref<320000xi32, #tpu.memory_space<hbm>> -> memref<64xi32, #tpu.memory_space<hbm>>
        tpu.enqueue_dma source(%dma_start3A_105 : memref<64xi32, #tpu.memory_space<hbm>>) target(%arg12 : memref<64xi32, #tpu.memory_space<vmem>>) target_semaphore(%arg22 : memref<!tpu.dma_semaphore, #tpu.memory_space<semaphore_mem>>)
        %dma_start3A_106 = arith.constant 0 : i32
        %dma_start3A_107 = tpu.memref_slice %arg2[%mul3A_102, %dma_start3A_106] : memref<320000x128xf32, #tpu.memory_space<hbm>> -> memref<64x128xf32, #tpu.memory_space<hbm>>
        %dma_start3A_108 = arith.constant 0 : i32
        %dma_start3A_109 = tpu.memref_slice %arg2[%mul3A_102, %dma_start3A_108] : memref<320000x128xf32, #tpu.memory_space<hbm>> -> memref<64x128xf32, #tpu.memory_space<hbm>>
        tpu.enqueue_dma source(%dma_start3A_109 : memref<64x128xf32, #tpu.memory_space<hbm>>) target(%arg17 : memref<64x128xf32, #tpu.memory_space<vmem>>) target_semaphore(%arg22 : memref<!tpu.dma_semaphore, #tpu.memory_space<semaphore_mem>>)
        %dma_start3A_110 = arith.constant 0 : i32
        %dma_start3A_111 = tpu.memref_slice %arg3[%mul3A_102, %dma_start3A_110] : memref<320000x128xf32, #tpu.memory_space<hbm>> -> memref<64x128xf32, #tpu.memory_space<hbm>>
        %dma_start3A_112 = arith.constant 0 : i32
        %dma_start3A_113 = tpu.memref_slice %arg3[%mul3A_102, %dma_start3A_112] : memref<320000x128xf32, #tpu.memory_space<hbm>> -> memref<64x128xf32, #tpu.memory_space<hbm>>
        tpu.enqueue_dma source(%dma_start3A_113 : memref<64x128xf32, #tpu.memory_space<hbm>>) target(%arg18 : memref<64x128xf32, #tpu.memory_space<vmem>>) target_semaphore(%arg22 : memref<!tpu.dma_semaphore, #tpu.memory_space<semaphore_mem>>)
      } else {
      }
      %mul3A_39 = arith.constant 16 : i32
      %mul3A_40 = arith.muli %mul3A_39, %add3A_25 : i32
      %add3A_41 = arith.addi %arg1, %mul3A_40 : i32
      %lt3A_42 = arith.constant 2500 : i32
      %lt3A_43 = arith.cmpi slt, %add3A_41, %lt3A_42 : i32
      %convert_element_type3A_44 = arith.extui %lt3A_43 : i1 to i32
      %cond3A_45 = arith.constant 0 : i32
      %cond3A_46 = arith.cmpi ne, %convert_element_type3A_44, %cond3A_45 : i32
      scf.if %cond3A_46 {
        %mul3A_95 = arith.constant 2500 : i32
        %mul3A_96 = arith.muli %arg0, %mul3A_95 : i32
        %add3A_97 = arith.addi %mul3A_96, %arg1 : i32
        %mul3A_98 = arith.constant 16 : i32
        %mul3A_99 = arith.muli %mul3A_98, %add3A_25 : i32
        %add3A_100 = arith.addi %add3A_97, %mul3A_99 : i32
        %mul3A_101 = arith.constant 64 : i32
        %mul3A_102 = arith.muli %add3A_100, %mul3A_101 : i32
        %dma_start3A = tpu.memref_slice %arg4[%mul3A_102] : memref<320000xi32, #tpu.memory_space<hbm>> -> memref<64xi32, #tpu.memory_space<hbm>>
        %dma_start3A_103 = tpu.memref_slice %arg4[%mul3A_102] : memref<320000xi32, #tpu.memory_space<hbm>> -> memref<64xi32, #tpu.memory_space<hbm>>
        tpu.enqueue_dma source(%dma_start3A_103 : memref<64xi32, #tpu.memory_space<hbm>>) target(%arg13 : memref<64xi32, #tpu.memory_space<vmem>>) target_semaphore(%arg23 : memref<!tpu.dma_semaphore, #tpu.memory_space<semaphore_mem>>)
        %dma_start3A_104 = tpu.memref_slice %arg5[%mul3A_102] : memref<320000xi32, #tpu.memory_space<hbm>> -> memref<64xi32, #tpu.memory_space<hbm>>
        %dma_start3A_105 = tpu.memref_slice %arg5[%mul3A_102] : memref<320000xi32, #tpu.memory_space<hbm>> -> memref<64xi32, #tpu.memory_space<hbm>>
        tpu.enqueue_dma source(%dma_start3A_105 : memref<64xi32, #tpu.memory_space<hbm>>) target(%arg14 : memref<64xi32, #tpu.memory_space<vmem>>) target_semaphore(%arg23 : memref<!tpu.dma_semaphore, #tpu.memory_space<semaphore_mem>>)
        %dma_start3A_106 = arith.constant 0 : i32
        %dma_start3A_107 = tpu.memref_slice %arg2[%mul3A_102, %dma_start3A_106] : memref<320000x128xf32, #tpu.memory_space<hbm>> -> memref<64x128xf32, #tpu.memory_space<hbm>>
        %dma_start3A_108 = arith.constant 0 : i32
        %dma_start3A_109 = tpu.memref_slice %arg2[%mul3A_102, %dma_start3A_108] : memref<320000x128xf32, #tpu.memory_space<hbm>> -> memref<64x128xf32, #tpu.memory_space<hbm>>
        tpu.enqueue_dma source(%dma_start3A_109 : memref<64x128xf32, #tpu.memory_space<hbm>>) target(%arg19 : memref<64x128xf32, #tpu.memory_space<vmem>>) target_semaphore(%arg23 : memref<!tpu.dma_semaphore, #tpu.memory_space<semaphore_mem>>)
        %dma_start3A_110 = arith.constant 0 : i32
        %dma_start3A_111 = tpu.memref_slice %arg3[%mul3A_102, %dma_start3A_110] : memref<320000x128xf32, #tpu.memory_space<hbm>> -> memref<64x128xf32, #tpu.memory_space<hbm>>
        %dma_start3A_112 = arith.constant 0 : i32
        %dma_start3A_113 = tpu.memref_slice %arg3[%mul3A_102, %dma_start3A_112] : memref<320000x128xf32, #tpu.memory_space<hbm>> -> memref<64x128xf32, #tpu.memory_space<hbm>>
        tpu.enqueue_dma source(%dma_start3A_113 : memref<64x128xf32, #tpu.memory_space<hbm>>) target(%arg20 : memref<64x128xf32, #tpu.memory_space<vmem>>) target_semaphore(%arg23 : memref<!tpu.dma_semaphore, #tpu.memory_space<semaphore_mem>>)
      } else {
      }
      %mul3A_47 = arith.constant 16 : i32
      %mul3A_48 = arith.muli %mul3A_47, %mul3A_17 : i32
      %add3A_49 = arith.addi %arg1, %mul3A_48 : i32
      %lt3A_50 = arith.constant 2500 : i32
      %lt3A_51 = arith.cmpi slt, %add3A_49, %lt3A_50 : i32
      %convert_element_type3A_52 = arith.extui %lt3A_51 : i1 to i32
      %cond3A_53 = arith.constant 0 : i32
      %cond3A_54 = arith.cmpi ne, %convert_element_type3A_52, %cond3A_53 : i32
      scf.if %cond3A_54 {
        %mul3A_95 = arith.constant 2500 : i32
        %mul3A_96 = arith.muli %arg0, %mul3A_95 : i32
        %add3A_97 = arith.addi %mul3A_96, %arg1 : i32
        %mul3A_98 = arith.constant 16 : i32
        %mul3A_99 = arith.muli %mul3A_98, %mul3A_17 : i32
        %add3A_100 = arith.addi %add3A_97, %mul3A_99 : i32
        %mul3A_101 = arith.constant 64 : i32
        %mul3A_102 = arith.muli %add3A_100, %mul3A_101 : i32
        %dma_wait3A = tpu.memref_slice %arg4[%mul3A_102] : memref<320000xi32, #tpu.memory_space<hbm>> -> memref<64xi32, #tpu.memory_space<hbm>>
        %dma_wait3A_103 = tpu.memref_slice %arg4[%mul3A_102] : memref<320000xi32, #tpu.memory_space<hbm>> -> memref<64xi32, #tpu.memory_space<hbm>>
        tpu.wait_dma2 semaphore(%arg21 : memref<!tpu.dma_semaphore, #tpu.memory_space<semaphore_mem>>) src(%dma_wait3A_103 : memref<64xi32, #tpu.memory_space<hbm>>) dst(%arg9 : memref<64xi32, #tpu.memory_space<vmem>>)
        %dma_wait3A_104 = tpu.memref_slice %arg5[%mul3A_102] : memref<320000xi32, #tpu.memory_space<hbm>> -> memref<64xi32, #tpu.memory_space<hbm>>
        %dma_wait3A_105 = tpu.memref_slice %arg5[%mul3A_102] : memref<320000xi32, #tpu.memory_space<hbm>> -> memref<64xi32, #tpu.memory_space<hbm>>
        tpu.wait_dma2 semaphore(%arg21 : memref<!tpu.dma_semaphore, #tpu.memory_space<semaphore_mem>>) src(%dma_wait3A_105 : memref<64xi32, #tpu.memory_space<hbm>>) dst(%arg10 : memref<64xi32, #tpu.memory_space<vmem>>)
        %dma_wait3A_106 = arith.constant 0 : i32
        %dma_wait3A_107 = tpu.memref_slice %arg2[%mul3A_102, %dma_wait3A_106] : memref<320000x128xf32, #tpu.memory_space<hbm>> -> memref<64x128xf32, #tpu.memory_space<hbm>>
        %dma_wait3A_108 = arith.constant 0 : i32
        %dma_wait3A_109 = tpu.memref_slice %arg2[%mul3A_102, %dma_wait3A_108] : memref<320000x128xf32, #tpu.memory_space<hbm>> -> memref<64x128xf32, #tpu.memory_space<hbm>>
        tpu.wait_dma2 semaphore(%arg21 : memref<!tpu.dma_semaphore, #tpu.memory_space<semaphore_mem>>) src(%dma_wait3A_109 : memref<64x128xf32, #tpu.memory_space<hbm>>) dst(%arg15 : memref<64x128xf32, #tpu.memory_space<vmem>>)
        %dma_wait3A_110 = arith.constant 0 : i32
        %dma_wait3A_111 = tpu.memref_slice %arg3[%mul3A_102, %dma_wait3A_110] : memref<320000x128xf32, #tpu.memory_space<hbm>> -> memref<64x128xf32, #tpu.memory_space<hbm>>
        %dma_wait3A_112 = arith.constant 0 : i32
        %dma_wait3A_113 = tpu.memref_slice %arg3[%mul3A_102, %dma_wait3A_112] : memref<320000x128xf32, #tpu.memory_space<hbm>> -> memref<64x128xf32, #tpu.memory_space<hbm>>
        tpu.wait_dma2 semaphore(%arg21 : memref<!tpu.dma_semaphore, #tpu.memory_space<semaphore_mem>>) src(%dma_wait3A_113 : memref<64x128xf32, #tpu.memory_space<hbm>>) dst(%arg16 : memref<64x128xf32, #tpu.memory_space<vmem>>)
        %dma_start3A = arith.constant 0 : i32
        %dma_start3A_114 = arith.constant 0 : i32
        %dma_start3A_115 = tpu.memref_slice %arg8[%dma_start3A, %dma_start3A_114] : memref<10112x128xf32, #tpu.memory_space<vmem_shared>> -> memref<10112x128xf32, #tpu.memory_space<vmem_shared>>
        tpu.enqueue_indirect_dma source(%arg15 : memref<64x128xf32, #tpu.memory_space<vmem>>) target(%dma_start3A_115 : memref<10112x128xf32, #tpu.memory_space<vmem_shared>>) offsets(%arg10 : memref<64xi32, #tpu.memory_space<vmem>>) semaphore(%arg24 : memref<!tpu.dma_semaphore, #tpu.memory_space<semaphore_mem>>) {add = true}
        %dma_start3A_116 = arith.constant 0 : i32
        %dma_start3A_117 = arith.constant 0 : i32
        %dma_start3A_118 = tpu.memref_slice %arg8[%dma_start3A_116, %dma_start3A_117] : memref<10112x128xf32, #tpu.memory_space<vmem_shared>> -> memref<10112x128xf32, #tpu.memory_space<vmem_shared>>
        tpu.enqueue_indirect_dma source(%arg16 : memref<64x128xf32, #tpu.memory_space<vmem>>) target(%dma_start3A_118 : memref<10112x128xf32, #tpu.memory_space<vmem_shared>>) offsets(%arg9 : memref<64xi32, #tpu.memory_space<vmem>>) semaphore(%arg24 : memref<!tpu.dma_semaphore, #tpu.memory_space<semaphore_mem>>) {add = true}
      } else {
      }
      %mul3A_55 = arith.constant 16 : i32
      %mul3A_56 = arith.muli %mul3A_55, %add3A_21 : i32
      %add3A_57 = arith.addi %arg1, %mul3A_56 : i32
      %lt3A_58 = arith.constant 2500 : i32
      %lt3A_59 = arith.cmpi slt, %add3A_57, %lt3A_58 : i32
      %convert_element_type3A_60 = arith.extui %lt3A_59 : i1 to i32
      %cond3A_61 = arith.constant 0 : i32
      %cond3A_62 = arith.cmpi ne, %convert_element_type3A_60, %cond3A_61 : i32
      scf.if %cond3A_62 {
        %mul3A_95 = arith.constant 2500 : i32
        %mul3A_96 = arith.muli %arg0, %mul3A_95 : i32
        %add3A_97 = arith.addi %mul3A_96, %arg1 : i32
        %mul3A_98 = arith.constant 16 : i32
        %mul3A_99 = arith.muli %mul3A_98, %add3A_21 : i32
        %add3A_100 = arith.addi %add3A_97, %mul3A_99 : i32
        %mul3A_101 = arith.constant 64 : i32
        %mul3A_102 = arith.muli %add3A_100, %mul3A_101 : i32
        %dma_wait3A = tpu.memref_slice %arg4[%mul3A_102] : memref<320000xi32, #tpu.memory_space<hbm>> -> memref<64xi32, #tpu.memory_space<hbm>>
        %dma_wait3A_103 = tpu.memref_slice %arg4[%mul3A_102] : memref<320000xi32, #tpu.memory_space<hbm>> -> memref<64xi32, #tpu.memory_space<hbm>>
        tpu.wait_dma2 semaphore(%arg22 : memref<!tpu.dma_semaphore, #tpu.memory_space<semaphore_mem>>) src(%dma_wait3A_103 : memref<64xi32, #tpu.memory_space<hbm>>) dst(%arg11 : memref<64xi32, #tpu.memory_space<vmem>>)
        %dma_wait3A_104 = tpu.memref_slice %arg5[%mul3A_102] : memref<320000xi32, #tpu.memory_space<hbm>> -> memref<64xi32, #tpu.memory_space<hbm>>
        %dma_wait3A_105 = tpu.memref_slice %arg5[%mul3A_102] : memref<320000xi32, #tpu.memory_space<hbm>> -> memref<64xi32, #tpu.memory_space<hbm>>
        tpu.wait_dma2 semaphore(%arg22 : memref<!tpu.dma_semaphore, #tpu.memory_space<semaphore_mem>>) src(%dma_wait3A_105 : memref<64xi32, #tpu.memory_space<hbm>>) dst(%arg12 : memref<64xi32, #tpu.memory_space<vmem>>)
        %dma_wait3A_106 = arith.constant 0 : i32
        %dma_wait3A_107 = tpu.memref_slice %arg2[%mul3A_102, %dma_wait3A_106] : memref<320000x128xf32, #tpu.memory_space<hbm>> -> memref<64x128xf32, #tpu.memory_space<hbm>>
        %dma_wait3A_108 = arith.constant 0 : i32
        %dma_wait3A_109 = tpu.memref_slice %arg2[%mul3A_102, %dma_wait3A_108] : memref<320000x128xf32, #tpu.memory_space<hbm>> -> memref<64x128xf32, #tpu.memory_space<hbm>>
        tpu.wait_dma2 semaphore(%arg22 : memref<!tpu.dma_semaphore, #tpu.memory_space<semaphore_mem>>) src(%dma_wait3A_109 : memref<64x128xf32, #tpu.memory_space<hbm>>) dst(%arg17 : memref<64x128xf32, #tpu.memory_space<vmem>>)
        %dma_wait3A_110 = arith.constant 0 : i32
        %dma_wait3A_111 = tpu.memref_slice %arg3[%mul3A_102, %dma_wait3A_110] : memref<320000x128xf32, #tpu.memory_space<hbm>> -> memref<64x128xf32, #tpu.memory_space<hbm>>
        %dma_wait3A_112 = arith.constant 0 : i32
        %dma_wait3A_113 = tpu.memref_slice %arg3[%mul3A_102, %dma_wait3A_112] : memref<320000x128xf32, #tpu.memory_space<hbm>> -> memref<64x128xf32, #tpu.memory_space<hbm>>
        tpu.wait_dma2 semaphore(%arg22 : memref<!tpu.dma_semaphore, #tpu.memory_space<semaphore_mem>>) src(%dma_wait3A_113 : memref<64x128xf32, #tpu.memory_space<hbm>>) dst(%arg18 : memref<64x128xf32, #tpu.memory_space<vmem>>)
        %dma_start3A = arith.constant 0 : i32
        %dma_start3A_114 = arith.constant 0 : i32
        %dma_start3A_115 = tpu.memref_slice %arg8[%dma_start3A, %dma_start3A_114] : memref<10112x128xf32, #tpu.memory_space<vmem_shared>> -> memref<10112x128xf32, #tpu.memory_space<vmem_shared>>
        tpu.enqueue_indirect_dma source(%arg17 : memref<64x128xf32, #tpu.memory_space<vmem>>) target(%dma_start3A_115 : memref<10112x128xf32, #tpu.memory_space<vmem_shared>>) offsets(%arg12 : memref<64xi32, #tpu.memory_space<vmem>>) semaphore(%arg25 : memref<!tpu.dma_semaphore, #tpu.memory_space<semaphore_mem>>) {add = true}
        %dma_start3A_116 = arith.constant 0 : i32
        %dma_start3A_117 = arith.constant 0 : i32
        %dma_start3A_118 = tpu.memref_slice %arg8[%dma_start3A_116, %dma_start3A_117] : memref<10112x128xf32, #tpu.memory_space<vmem_shared>> -> memref<10112x128xf32, #tpu.memory_space<vmem_shared>>
        tpu.enqueue_indirect_dma source(%arg18 : memref<64x128xf32, #tpu.memory_space<vmem>>) target(%dma_start3A_118 : memref<10112x128xf32, #tpu.memory_space<vmem_shared>>) offsets(%arg11 : memref<64xi32, #tpu.memory_space<vmem>>) semaphore(%arg25 : memref<!tpu.dma_semaphore, #tpu.memory_space<semaphore_mem>>) {add = true}
      } else {
      }
      %mul3A_63 = arith.constant 16 : i32
      %mul3A_64 = arith.muli %mul3A_63, %add3A_25 : i32
      %add3A_65 = arith.addi %arg1, %mul3A_64 : i32
      %lt3A_66 = arith.constant 2500 : i32
      %lt3A_67 = arith.cmpi slt, %add3A_65, %lt3A_66 : i32
      %convert_element_type3A_68 = arith.extui %lt3A_67 : i1 to i32
      %cond3A_69 = arith.constant 0 : i32
      %cond3A_70 = arith.cmpi ne, %convert_element_type3A_68, %cond3A_69 : i32
      scf.if %cond3A_70 {
        %mul3A_95 = arith.constant 2500 : i32
        %mul3A_96 = arith.muli %arg0, %mul3A_95 : i32
        %add3A_97 = arith.addi %mul3A_96, %arg1 : i32
        %mul3A_98 = arith.constant 16 : i32
        %mul3A_99 = arith.muli %mul3A_98, %add3A_25 : i32
        %add3A_100 = arith.addi %add3A_97, %mul3A_99 : i32
        %mul3A_101 = arith.constant 64 : i32
        %mul3A_102 = arith.muli %add3A_100, %mul3A_101 : i32
        %dma_wait3A = tpu.memref_slice %arg4[%mul3A_102] : memref<320000xi32, #tpu.memory_space<hbm>> -> memref<64xi32, #tpu.memory_space<hbm>>
        %dma_wait3A_103 = tpu.memref_slice %arg4[%mul3A_102] : memref<320000xi32, #tpu.memory_space<hbm>> -> memref<64xi32, #tpu.memory_space<hbm>>
        tpu.wait_dma2 semaphore(%arg23 : memref<!tpu.dma_semaphore, #tpu.memory_space<semaphore_mem>>) src(%dma_wait3A_103 : memref<64xi32, #tpu.memory_space<hbm>>) dst(%arg13 : memref<64xi32, #tpu.memory_space<vmem>>)
        %dma_wait3A_104 = tpu.memref_slice %arg5[%mul3A_102] : memref<320000xi32, #tpu.memory_space<hbm>> -> memref<64xi32, #tpu.memory_space<hbm>>
        %dma_wait3A_105 = tpu.memref_slice %arg5[%mul3A_102] : memref<320000xi32, #tpu.memory_space<hbm>> -> memref<64xi32, #tpu.memory_space<hbm>>
        tpu.wait_dma2 semaphore(%arg23 : memref<!tpu.dma_semaphore, #tpu.memory_space<semaphore_mem>>) src(%dma_wait3A_105 : memref<64xi32, #tpu.memory_space<hbm>>) dst(%arg14 : memref<64xi32, #tpu.memory_space<vmem>>)
        %dma_wait3A_106 = arith.constant 0 : i32
        %dma_wait3A_107 = tpu.memref_slice %arg2[%mul3A_102, %dma_wait3A_106] : memref<320000x128xf32, #tpu.memory_space<hbm>> -> memref<64x128xf32, #tpu.memory_space<hbm>>
        %dma_wait3A_108 = arith.constant 0 : i32
        %dma_wait3A_109 = tpu.memref_slice %arg2[%mul3A_102, %dma_wait3A_108] : memref<320000x128xf32, #tpu.memory_space<hbm>> -> memref<64x128xf32, #tpu.memory_space<hbm>>
        tpu.wait_dma2 semaphore(%arg23 : memref<!tpu.dma_semaphore, #tpu.memory_space<semaphore_mem>>) src(%dma_wait3A_109 : memref<64x128xf32, #tpu.memory_space<hbm>>) dst(%arg19 : memref<64x128xf32, #tpu.memory_space<vmem>>)
        %dma_wait3A_110 = arith.constant 0 : i32
        %dma_wait3A_111 = tpu.memref_slice %arg3[%mul3A_102, %dma_wait3A_110] : memref<320000x128xf32, #tpu.memory_space<hbm>> -> memref<64x128xf32, #tpu.memory_space<hbm>>
        %dma_wait3A_112 = arith.constant 0 : i32
        %dma_wait3A_113 = tpu.memref_slice %arg3[%mul3A_102, %dma_wait3A_112] : memref<320000x128xf32, #tpu.memory_space<hbm>> -> memref<64x128xf32, #tpu.memory_space<hbm>>
        tpu.wait_dma2 semaphore(%arg23 : memref<!tpu.dma_semaphore, #tpu.memory_space<semaphore_mem>>) src(%dma_wait3A_113 : memref<64x128xf32, #tpu.memory_space<hbm>>) dst(%arg20 : memref<64x128xf32, #tpu.memory_space<vmem>>)
        %dma_start3A = arith.constant 0 : i32
        %dma_start3A_114 = arith.constant 0 : i32
        %dma_start3A_115 = tpu.memref_slice %arg8[%dma_start3A, %dma_start3A_114] : memref<10112x128xf32, #tpu.memory_space<vmem_shared>> -> memref<10112x128xf32, #tpu.memory_space<vmem_shared>>
        tpu.enqueue_indirect_dma source(%arg19 : memref<64x128xf32, #tpu.memory_space<vmem>>) target(%dma_start3A_115 : memref<10112x128xf32, #tpu.memory_space<vmem_shared>>) offsets(%arg14 : memref<64xi32, #tpu.memory_space<vmem>>) semaphore(%arg26 : memref<!tpu.dma_semaphore, #tpu.memory_space<semaphore_mem>>) {add = true}
        %dma_start3A_116 = arith.constant 0 : i32
        %dma_start3A_117 = arith.constant 0 : i32
        %dma_start3A_118 = tpu.memref_slice %arg8[%dma_start3A_116, %dma_start3A_117] : memref<10112x128xf32, #tpu.memory_space<vmem_shared>> -> memref<10112x128xf32, #tpu.memory_space<vmem_shared>>
        tpu.enqueue_indirect_dma source(%arg20 : memref<64x128xf32, #tpu.memory_space<vmem>>) target(%dma_start3A_118 : memref<10112x128xf32, #tpu.memory_space<vmem_shared>>) offsets(%arg13 : memref<64xi32, #tpu.memory_space<vmem>>) semaphore(%arg26 : memref<!tpu.dma_semaphore, #tpu.memory_space<semaphore_mem>>) {add = true}
      } else {
      }
      %mul3A_71 = arith.constant 16 : i32
      %mul3A_72 = arith.muli %mul3A_71, %mul3A_17 : i32
      %add3A_73 = arith.addi %arg1, %mul3A_72 : i32
      %lt3A_74 = arith.constant 2500 : i32
      %lt3A_75 = arith.cmpi slt, %add3A_73, %lt3A_74 : i32
      %convert_element_type3A_76 = arith.extui %lt3A_75 : i1 to i32
      %cond3A_77 = arith.constant 0 : i32
      %cond3A_78 = arith.cmpi ne, %convert_element_type3A_76, %cond3A_77 : i32
      scf.if %cond3A_78 {
        %dma_wait3A = arith.constant 0 : i32
        %dma_wait3A_95 = arith.constant 0 : i32
        %dma_wait3A_96 = tpu.memref_slice %arg8[%dma_wait3A, %dma_wait3A_95] : memref<10112x128xf32, #tpu.memory_space<vmem_shared>> -> memref<10112x128xf32, #tpu.memory_space<vmem_shared>>
        tpu.wait_indirect_dma semaphore(%arg24 : memref<!tpu.dma_semaphore, #tpu.memory_space<semaphore_mem>>) src(%arg15 : memref<64x128xf32, #tpu.memory_space<vmem>>) dst(%dma_wait3A_96 : memref<10112x128xf32, #tpu.memory_space<vmem_shared>>)
        %dma_wait3A_97 = arith.constant 0 : i32
        %dma_wait3A_98 = arith.constant 0 : i32
        %dma_wait3A_99 = tpu.memref_slice %arg8[%dma_wait3A_97, %dma_wait3A_98] : memref<10112x128xf32, #tpu.memory_space<vmem_shared>> -> memref<10112x128xf32, #tpu.memory_space<vmem_shared>>
        tpu.wait_indirect_dma semaphore(%arg24 : memref<!tpu.dma_semaphore, #tpu.memory_space<semaphore_mem>>) src(%arg16 : memref<64x128xf32, #tpu.memory_space<vmem>>) dst(%dma_wait3A_99 : memref<10112x128xf32, #tpu.memory_space<vmem_shared>>)
      } else {
      }
      %mul3A_79 = arith.constant 16 : i32
      %mul3A_80 = arith.muli %mul3A_79, %add3A_21 : i32
      %add3A_81 = arith.addi %arg1, %mul3A_80 : i32
      %lt3A_82 = arith.constant 2500 : i32
      %lt3A_83 = arith.cmpi slt, %add3A_81, %lt3A_82 : i32
      %convert_element_type3A_84 = arith.extui %lt3A_83 : i1 to i32
      %cond3A_85 = arith.constant 0 : i32
      %cond3A_86 = arith.cmpi ne, %convert_element_type3A_84, %cond3A_85 : i32
      scf.if %cond3A_86 {
        %dma_wait3A = arith.constant 0 : i32
        %dma_wait3A_95 = arith.constant 0 : i32
        %dma_wait3A_96 = tpu.memref_slice %arg8[%dma_wait3A, %dma_wait3A_95] : memref<10112x128xf32, #tpu.memory_space<vmem_shared>> -> memref<10112x128xf32, #tpu.memory_space<vmem_shared>>
        tpu.wait_indirect_dma semaphore(%arg25 : memref<!tpu.dma_semaphore, #tpu.memory_space<semaphore_mem>>) src(%arg17 : memref<64x128xf32, #tpu.memory_space<vmem>>) dst(%dma_wait3A_96 : memref<10112x128xf32, #tpu.memory_space<vmem_shared>>)
        %dma_wait3A_97 = arith.constant 0 : i32
        %dma_wait3A_98 = arith.constant 0 : i32
        %dma_wait3A_99 = tpu.memref_slice %arg8[%dma_wait3A_97, %dma_wait3A_98] : memref<10112x128xf32, #tpu.memory_space<vmem_shared>> -> memref<10112x128xf32, #tpu.memory_space<vmem_shared>>
        tpu.wait_indirect_dma semaphore(%arg25 : memref<!tpu.dma_semaphore, #tpu.memory_space<semaphore_mem>>) src(%arg18 : memref<64x128xf32, #tpu.memory_space<vmem>>) dst(%dma_wait3A_99 : memref<10112x128xf32, #tpu.memory_space<vmem_shared>>)
      } else {
      }
      %mul3A_87 = arith.constant 16 : i32
      %mul3A_88 = arith.muli %mul3A_87, %add3A_25 : i32
      %add3A_89 = arith.addi %arg1, %mul3A_88 : i32
      %lt3A_90 = arith.constant 2500 : i32
      %lt3A_91 = arith.cmpi slt, %add3A_89, %lt3A_90 : i32
      %convert_element_type3A_92 = arith.extui %lt3A_91 : i1 to i32
      %cond3A_93 = arith.constant 0 : i32
      %cond3A_94 = arith.cmpi ne, %convert_element_type3A_92, %cond3A_93 : i32
      scf.if %cond3A_94 {
        %dma_wait3A = arith.constant 0 : i32
        %dma_wait3A_95 = arith.constant 0 : i32
        %dma_wait3A_96 = tpu.memref_slice %arg8[%dma_wait3A, %dma_wait3A_95] : memref<10112x128xf32, #tpu.memory_space<vmem_shared>> -> memref<10112x128xf32, #tpu.memory_space<vmem_shared>>
        tpu.wait_indirect_dma semaphore(%arg26 : memref<!tpu.dma_semaphore, #tpu.memory_space<semaphore_mem>>) src(%arg19 : memref<64x128xf32, #tpu.memory_space<vmem>>) dst(%dma_wait3A_96 : memref<10112x128xf32, #tpu.memory_space<vmem_shared>>)
        %dma_wait3A_97 = arith.constant 0 : i32
        %dma_wait3A_98 = arith.constant 0 : i32
        %dma_wait3A_99 = tpu.memref_slice %arg8[%dma_wait3A_97, %dma_wait3A_98] : memref<10112x128xf32, #tpu.memory_space<vmem_shared>> -> memref<10112x128xf32, #tpu.memory_space<vmem_shared>>
        tpu.wait_indirect_dma semaphore(%arg26 : memref<!tpu.dma_semaphore, #tpu.memory_space<semaphore_mem>>) src(%arg20 : memref<64x128xf32, #tpu.memory_space<vmem>>) dst(%dma_wait3A_99 : memref<10112x128xf32, #tpu.memory_space<vmem_shared>>)
      } else {
      }
    }
    %scan3A_6 = arith.constant 53 : i32
    %barrier3A_7 = arith.constant 0 : index
    tpu.barrier barrier_id(%barrier3A_7)
    %mul3A_8 = arith.constant 632 : i32
    %mul3A_9 = arith.muli %arg1, %mul3A_8 : i32
    %mul3A_10 = arith.constant 632 : i32
    %mul3A_11 = arith.muli %arg1, %mul3A_10 : i32
    "tpu.region"() ({
      %run_scoped3A = tpu.sem_alloc : memref<!tpu.dma_semaphore, #tpu.memory_space<semaphore_mem>>
      %dma_start3A = arith.constant 0 : i32
      %dma_start3A_12 = tpu.memref_slice %arg7[%arg0, %mul3A_11, %dma_start3A] : memref<2x10112x128xf32, #tpu.memory_space<hbm>> -> memref<1x632x128xf32, #tpu.memory_space<hbm>>
      %dma_start3A_13 = tpu.memref_squeeze %dma_start3A_12 : memref<1x632x128xf32, #tpu.memory_space<hbm>> -> memref<632x128xf32, #tpu.memory_space<hbm>>
      %dma_start3A_14 = arith.constant 0 : i32
      %dma_start3A_15 = tpu.memref_slice %arg8[%mul3A_9, %dma_start3A_14] : memref<10112x128xf32, #tpu.memory_space<vmem_shared>> -> memref<632x128xf32, #tpu.memory_space<vmem_shared>>
      tpu.enqueue_dma source(%dma_start3A_15 : memref<632x128xf32, #tpu.memory_space<vmem_shared>>) target(%dma_start3A_13 : memref<632x128xf32, #tpu.memory_space<hbm>>) target_semaphore(%run_scoped3A : memref<!tpu.dma_semaphore, #tpu.memory_space<semaphore_mem>>)
      %dma_wait3A = arith.constant 0 : i32
      %dma_wait3A_16 = tpu.memref_slice %arg7[%arg0, %mul3A_11, %dma_wait3A] : memref<2x10112x128xf32, #tpu.memory_space<hbm>> -> memref<1x632x128xf32, #tpu.memory_space<hbm>>
      %dma_wait3A_17 = tpu.memref_squeeze %dma_wait3A_16 : memref<1x632x128xf32, #tpu.memory_space<hbm>> -> memref<632x128xf32, #tpu.memory_space<hbm>>
      %dma_wait3A_18 = arith.constant 0 : i32
      %dma_wait3A_19 = tpu.memref_slice %arg8[%mul3A_9, %dma_wait3A_18] : memref<10112x128xf32, #tpu.memory_space<vmem_shared>> -> memref<632x128xf32, #tpu.memory_space<vmem_shared>>
      tpu.wait_dma2 semaphore(%run_scoped3A : memref<!tpu.dma_semaphore, #tpu.memory_space<semaphore_mem>>) src(%dma_wait3A_19 : memref<632x128xf32, #tpu.memory_space<vmem_shared>>) dst(%dma_wait3A_17 : memref<632x128xf32, #tpu.memory_space<hbm>>)
      tpu.yield
    }) : () -> ()
    return
  }
}

#map = affine_map<(d0, d1) -> (0, 0)>
#map1 = affine_map<(d0, d1) -> (0)>
module attributes {stable_mosaic.version = 14 : i64} {
  func.func @_gather_body(%arg0: i32, %arg1: i32, %arg2: memref<10000x128xf32, #tpu.memory_space<hbm>>, %arg3: memref<320000xi32, #tpu.memory_space<hbm>>, %arg4: memref<320000xi32, #tpu.memory_space<hbm>>, %arg5: memref<320000x128xf32, #tpu.memory_space<hbm>>, %arg6: memref<320000x128xf32, #tpu.memory_space<hbm>>, %arg7: memref<10000x128xf32, #tpu.memory_space<vmem_shared>>, %arg8: memref<64xi32, #tpu.memory_space<vmem>>, %arg9: memref<64xi32, #tpu.memory_space<vmem>>, %arg10: memref<64xi32, #tpu.memory_space<vmem>>, %arg11: memref<64xi32, #tpu.memory_space<vmem>>, %arg12: memref<64x128xf32, #tpu.memory_space<vmem>>, %arg13: memref<64x128xf32, #tpu.memory_space<vmem>>, %arg14: memref<64x128xf32, #tpu.memory_space<vmem>>, %arg15: memref<64x128xf32, #tpu.memory_space<vmem>>, %arg16: memref<!tpu.dma_semaphore, #tpu.memory_space<semaphore_mem>>, %arg17: memref<!tpu.dma_semaphore, #tpu.memory_space<semaphore_mem>>, %arg18: memref<!tpu.dma_semaphore, #tpu.memory_space<semaphore_mem>>, %arg19: memref<!tpu.dma_semaphore, #tpu.memory_space<semaphore_mem>>) attributes {dimension_semantics = [#tpu.dimension_semantics<core_parallel>, #tpu.dimension_semantics<subcore_parallel>], iteration_bounds = array<i64: 2, 16>, scalar_prefetch = 0 : i64, scratch_operands = 13 : i64, tpu.core_type = #tpu.core_type<sc_vector_subcore>, window_params = [{transform_indices = #map}, {transform_indices = #map1}, {transform_indices = #map1}, {transform_indices = #map}, {transform_indices = #map}]} {
    %mul3A = arith.constant 16 : i32
    %mul3A_0 = arith.muli %arg0, %mul3A : i32
    %add3A = arith.addi %mul3A_0, %arg1 : i32
    %lt3A = arith.constant 15 : i32
    %lt3A_1 = arith.cmpi slt, %arg1, %lt3A : i32
    %convert_element_type3A = arith.extui %lt3A_1 : i1 to i32
    %cond3A = arith.constant 0 : i32
    %cond3A_2 = arith.cmpi ne, %convert_element_type3A, %cond3A : i32
    scf.if %cond3A_2 {
      %mul3A_11 = arith.constant 632 : i32
      %mul3A_12 = arith.muli %arg1, %mul3A_11 : i32
      %mul3A_13 = arith.constant 632 : i32
      %mul3A_14 = arith.muli %arg1, %mul3A_13 : i32
      "tpu.region"() ({
        %run_scoped3A = tpu.sem_alloc : memref<!tpu.dma_semaphore, #tpu.memory_space<semaphore_mem>>
        %dma_start3A = arith.constant 0 : i32
        %dma_start3A_15 = tpu.memref_slice %arg7[%mul3A_14, %dma_start3A] : memref<10000x128xf32, #tpu.memory_space<vmem_shared>> -> memref<632x128xf32, #tpu.memory_space<vmem_shared>>
        %dma_start3A_16 = arith.constant 0 : i32
        %dma_start3A_17 = tpu.memref_slice %arg2[%mul3A_12, %dma_start3A_16] : memref<10000x128xf32, #tpu.memory_space<hbm>> -> memref<632x128xf32, #tpu.memory_space<hbm>>
        tpu.enqueue_dma source(%dma_start3A_17 : memref<632x128xf32, #tpu.memory_space<hbm>>) target(%dma_start3A_15 : memref<632x128xf32, #tpu.memory_space<vmem_shared>>) target_semaphore(%run_scoped3A : memref<!tpu.dma_semaphore, #tpu.memory_space<semaphore_mem>>)
        %dma_wait3A = arith.constant 0 : i32
        %dma_wait3A_18 = tpu.memref_slice %arg7[%mul3A_14, %dma_wait3A] : memref<10000x128xf32, #tpu.memory_space<vmem_shared>> -> memref<632x128xf32, #tpu.memory_space<vmem_shared>>
        %dma_wait3A_19 = arith.constant 0 : i32
        %dma_wait3A_20 = tpu.memref_slice %arg2[%mul3A_12, %dma_wait3A_19] : memref<10000x128xf32, #tpu.memory_space<hbm>> -> memref<632x128xf32, #tpu.memory_space<hbm>>
        tpu.wait_dma2 semaphore(%run_scoped3A : memref<!tpu.dma_semaphore, #tpu.memory_space<semaphore_mem>>) src(%dma_wait3A_20 : memref<632x128xf32, #tpu.memory_space<hbm>>) dst(%dma_wait3A_18 : memref<632x128xf32, #tpu.memory_space<vmem_shared>>)
        tpu.yield
      }) : () -> ()
    } else {
    }
    %eq3A = arith.constant 15 : i32
    %eq3A_3 = arith.cmpi eq, %arg1, %eq3A : i32
    %convert_element_type3A_4 = arith.extui %eq3A_3 : i1 to i32
    %cond3A_5 = arith.constant 0 : i32
    %cond3A_6 = arith.cmpi ne, %convert_element_type3A_4, %cond3A_5 : i32
    scf.if %cond3A_6 {
      "tpu.region"() ({
        %run_scoped3A = tpu.sem_alloc : memref<!tpu.dma_semaphore, #tpu.memory_space<semaphore_mem>>
        %dma_start3A = arith.constant 9480 : i32
        %dma_start3A_11 = arith.constant 0 : i32
        %dma_start3A_12 = tpu.memref_slice %arg7[%dma_start3A, %dma_start3A_11] : memref<10000x128xf32, #tpu.memory_space<vmem_shared>> -> memref<520x128xf32, #tpu.memory_space<vmem_shared>>
        %dma_start3A_13 = arith.constant 9480 : i32
        %dma_start3A_14 = arith.constant 0 : i32
        %dma_start3A_15 = tpu.memref_slice %arg2[%dma_start3A_13, %dma_start3A_14] : memref<10000x128xf32, #tpu.memory_space<hbm>> -> memref<520x128xf32, #tpu.memory_space<hbm>>
        tpu.enqueue_dma source(%dma_start3A_15 : memref<520x128xf32, #tpu.memory_space<hbm>>) target(%dma_start3A_12 : memref<520x128xf32, #tpu.memory_space<vmem_shared>>) target_semaphore(%run_scoped3A : memref<!tpu.dma_semaphore, #tpu.memory_space<semaphore_mem>>)
        %dma_wait3A = arith.constant 9480 : i32
        %dma_wait3A_16 = arith.constant 0 : i32
        %dma_wait3A_17 = tpu.memref_slice %arg7[%dma_wait3A, %dma_wait3A_16] : memref<10000x128xf32, #tpu.memory_space<vmem_shared>> -> memref<520x128xf32, #tpu.memory_space<vmem_shared>>
        %dma_wait3A_18 = arith.constant 9480 : i32
        %dma_wait3A_19 = arith.constant 0 : i32
        %dma_wait3A_20 = tpu.memref_slice %arg2[%dma_wait3A_18, %dma_wait3A_19] : memref<10000x128xf32, #tpu.memory_space<hbm>> -> memref<520x128xf32, #tpu.memory_space<hbm>>
        tpu.wait_dma2 semaphore(%run_scoped3A : memref<!tpu.dma_semaphore, #tpu.memory_space<semaphore_mem>>) src(%dma_wait3A_20 : memref<520x128xf32, #tpu.memory_space<hbm>>) dst(%dma_wait3A_17 : memref<520x128xf32, #tpu.memory_space<vmem_shared>>)
        tpu.yield
      }) : () -> ()
    } else {
    }
    %barrier3A = arith.constant 0 : index
    tpu.barrier barrier_id(%barrier3A)
    %scan3A = arith.constant 0 : i32
    %scan3A_7 = arith.constant 79 : i32
    %scan3A_8 = arith.addi %scan3A, %scan3A_7 : i32
    %scan3A_9 = arith.constant 1 : i32
    scf.for %scan3A_11 = %scan3A to %scan3A_8 step %scan3A_9  : i32 {
      %mul3A_12 = arith.constant 1 : i32
      %mul3A_13 = arith.muli %scan3A_11, %mul3A_12 : i32
      %add3A_14 = arith.constant 0 : i32
      %add3A_15 = arith.addi %add3A_14, %mul3A_13 : i32
      %mul3A_16 = arith.constant 2 : i32
      %mul3A_17 = arith.muli %mul3A_16, %add3A_15 : i32
      %mul3A_18 = arith.constant 2 : i32
      %mul3A_19 = arith.muli %mul3A_18, %add3A_15 : i32
      %add3A_20 = arith.constant 1 : i32
      %add3A_21 = arith.addi %mul3A_19, %add3A_20 : i32
      %mul3A_22 = arith.constant 32 : i32
      %mul3A_23 = arith.muli %mul3A_22, %mul3A_17 : i32
      %add3A_24 = arith.addi %add3A, %mul3A_23 : i32
      %lt3A_25 = arith.constant 5000 : i32
      %lt3A_26 = arith.cmpi slt, %add3A_24, %lt3A_25 : i32
      %convert_element_type3A_27 = arith.extui %lt3A_26 : i1 to i32
      %cond3A_28 = arith.constant 0 : i32
      %cond3A_29 = arith.cmpi ne, %convert_element_type3A_27, %cond3A_28 : i32
      scf.if %cond3A_29 {
        %mul3A_86 = arith.constant 32 : i32
        %mul3A_87 = arith.muli %mul3A_86, %mul3A_17 : i32
        %add3A_88 = arith.addi %add3A, %mul3A_87 : i32
        %mul3A_89 = arith.constant 64 : i32
        %mul3A_90 = arith.muli %add3A_88, %mul3A_89 : i32
        %dma_start3A = tpu.memref_slice %arg3[%mul3A_90] : memref<320000xi32, #tpu.memory_space<hbm>> -> memref<64xi32, #tpu.memory_space<hbm>>
        %dma_start3A_91 = tpu.memref_slice %arg3[%mul3A_90] : memref<320000xi32, #tpu.memory_space<hbm>> -> memref<64xi32, #tpu.memory_space<hbm>>
        tpu.enqueue_dma source(%dma_start3A_91 : memref<64xi32, #tpu.memory_space<hbm>>) target(%arg8 : memref<64xi32, #tpu.memory_space<vmem>>) target_semaphore(%arg16 : memref<!tpu.dma_semaphore, #tpu.memory_space<semaphore_mem>>)
        %mul3A_92 = arith.constant 32 : i32
        %mul3A_93 = arith.muli %mul3A_92, %mul3A_17 : i32
        %add3A_94 = arith.addi %add3A, %mul3A_93 : i32
        %mul3A_95 = arith.constant 64 : i32
        %mul3A_96 = arith.muli %add3A_94, %mul3A_95 : i32
        %dma_start3A_97 = tpu.memref_slice %arg4[%mul3A_96] : memref<320000xi32, #tpu.memory_space<hbm>> -> memref<64xi32, #tpu.memory_space<hbm>>
        %dma_start3A_98 = tpu.memref_slice %arg4[%mul3A_96] : memref<320000xi32, #tpu.memory_space<hbm>> -> memref<64xi32, #tpu.memory_space<hbm>>
        tpu.enqueue_dma source(%dma_start3A_98 : memref<64xi32, #tpu.memory_space<hbm>>) target(%arg9 : memref<64xi32, #tpu.memory_space<vmem>>) target_semaphore(%arg17 : memref<!tpu.dma_semaphore, #tpu.memory_space<semaphore_mem>>)
      } else {
      }
      %mul3A_30 = arith.constant 32 : i32
      %mul3A_31 = arith.muli %mul3A_30, %add3A_21 : i32
      %add3A_32 = arith.addi %add3A, %mul3A_31 : i32
      %lt3A_33 = arith.constant 5000 : i32
      %lt3A_34 = arith.cmpi slt, %add3A_32, %lt3A_33 : i32
      %convert_element_type3A_35 = arith.extui %lt3A_34 : i1 to i32
      %cond3A_36 = arith.constant 0 : i32
      %cond3A_37 = arith.cmpi ne, %convert_element_type3A_35, %cond3A_36 : i32
      scf.if %cond3A_37 {
        %mul3A_86 = arith.constant 32 : i32
        %mul3A_87 = arith.muli %mul3A_86, %add3A_21 : i32
        %add3A_88 = arith.addi %add3A, %mul3A_87 : i32
        %mul3A_89 = arith.constant 64 : i32
        %mul3A_90 = arith.muli %add3A_88, %mul3A_89 : i32
        %dma_start3A = tpu.memref_slice %arg3[%mul3A_90] : memref<320000xi32, #tpu.memory_space<hbm>> -> memref<64xi32, #tpu.memory_space<hbm>>
        %dma_start3A_91 = tpu.memref_slice %arg3[%mul3A_90] : memref<320000xi32, #tpu.memory_space<hbm>> -> memref<64xi32, #tpu.memory_space<hbm>>
        tpu.enqueue_dma source(%dma_start3A_91 : memref<64xi32, #tpu.memory_space<hbm>>) target(%arg10 : memref<64xi32, #tpu.memory_space<vmem>>) target_semaphore(%arg18 : memref<!tpu.dma_semaphore, #tpu.memory_space<semaphore_mem>>)
        %mul3A_92 = arith.constant 32 : i32
        %mul3A_93 = arith.muli %mul3A_92, %add3A_21 : i32
        %add3A_94 = arith.addi %add3A, %mul3A_93 : i32
        %mul3A_95 = arith.constant 64 : i32
        %mul3A_96 = arith.muli %add3A_94, %mul3A_95 : i32
        %dma_start3A_97 = tpu.memref_slice %arg4[%mul3A_96] : memref<320000xi32, #tpu.memory_space<hbm>> -> memref<64xi32, #tpu.memory_space<hbm>>
        %dma_start3A_98 = tpu.memref_slice %arg4[%mul3A_96] : memref<320000xi32, #tpu.memory_space<hbm>> -> memref<64xi32, #tpu.memory_space<hbm>>
        tpu.enqueue_dma source(%dma_start3A_98 : memref<64xi32, #tpu.memory_space<hbm>>) target(%arg11 : memref<64xi32, #tpu.memory_space<vmem>>) target_semaphore(%arg19 : memref<!tpu.dma_semaphore, #tpu.memory_space<semaphore_mem>>)
      } else {
      }
      %mul3A_38 = arith.constant 32 : i32
      %mul3A_39 = arith.muli %mul3A_38, %mul3A_17 : i32
      %add3A_40 = arith.addi %add3A, %mul3A_39 : i32
      %lt3A_41 = arith.constant 5000 : i32
      %lt3A_42 = arith.cmpi slt, %add3A_40, %lt3A_41 : i32
      %convert_element_type3A_43 = arith.extui %lt3A_42 : i1 to i32
      %cond3A_44 = arith.constant 0 : i32
      %cond3A_45 = arith.cmpi ne, %convert_element_type3A_43, %cond3A_44 : i32
      scf.if %cond3A_45 {
        %mul3A_86 = arith.constant 32 : i32
        %mul3A_87 = arith.muli %mul3A_86, %mul3A_17 : i32
        %add3A_88 = arith.addi %add3A, %mul3A_87 : i32
        %mul3A_89 = arith.constant 64 : i32
        %mul3A_90 = arith.muli %add3A_88, %mul3A_89 : i32
        %dma_wait3A = tpu.memref_slice %arg3[%mul3A_90] : memref<320000xi32, #tpu.memory_space<hbm>> -> memref<64xi32, #tpu.memory_space<hbm>>
        %dma_wait3A_91 = tpu.memref_slice %arg3[%mul3A_90] : memref<320000xi32, #tpu.memory_space<hbm>> -> memref<64xi32, #tpu.memory_space<hbm>>
        tpu.wait_dma2 semaphore(%arg16 : memref<!tpu.dma_semaphore, #tpu.memory_space<semaphore_mem>>) src(%dma_wait3A_91 : memref<64xi32, #tpu.memory_space<hbm>>) dst(%arg8 : memref<64xi32, #tpu.memory_space<vmem>>)
        %mul3A_92 = arith.constant 32 : i32
        %mul3A_93 = arith.muli %mul3A_92, %mul3A_17 : i32
        %add3A_94 = arith.addi %add3A, %mul3A_93 : i32
        %mul3A_95 = arith.constant 64 : i32
        %mul3A_96 = arith.muli %add3A_94, %mul3A_95 : i32
        %dma_wait3A_97 = tpu.memref_slice %arg4[%mul3A_96] : memref<320000xi32, #tpu.memory_space<hbm>> -> memref<64xi32, #tpu.memory_space<hbm>>
        %dma_wait3A_98 = tpu.memref_slice %arg4[%mul3A_96] : memref<320000xi32, #tpu.memory_space<hbm>> -> memref<64xi32, #tpu.memory_space<hbm>>
        tpu.wait_dma2 semaphore(%arg17 : memref<!tpu.dma_semaphore, #tpu.memory_space<semaphore_mem>>) src(%dma_wait3A_98 : memref<64xi32, #tpu.memory_space<hbm>>) dst(%arg9 : memref<64xi32, #tpu.memory_space<vmem>>)
        %dma_start3A = arith.constant 0 : i32
        %dma_start3A_99 = arith.constant 0 : i32
        %dma_start3A_100 = tpu.memref_slice %arg7[%dma_start3A, %dma_start3A_99] : memref<10000x128xf32, #tpu.memory_space<vmem_shared>> -> memref<10000x128xf32, #tpu.memory_space<vmem_shared>>
        tpu.enqueue_indirect_dma source(%dma_start3A_100 : memref<10000x128xf32, #tpu.memory_space<vmem_shared>>) target(%arg12 : memref<64x128xf32, #tpu.memory_space<vmem>>) offsets(%arg8 : memref<64xi32, #tpu.memory_space<vmem>>) semaphore(%arg16 : memref<!tpu.dma_semaphore, #tpu.memory_space<semaphore_mem>>)
        %dma_start3A_101 = arith.constant 0 : i32
        %dma_start3A_102 = arith.constant 0 : i32
        %dma_start3A_103 = tpu.memref_slice %arg7[%dma_start3A_101, %dma_start3A_102] : memref<10000x128xf32, #tpu.memory_space<vmem_shared>> -> memref<10000x128xf32, #tpu.memory_space<vmem_shared>>
        tpu.enqueue_indirect_dma source(%dma_start3A_103 : memref<10000x128xf32, #tpu.memory_space<vmem_shared>>) target(%arg13 : memref<64x128xf32, #tpu.memory_space<vmem>>) offsets(%arg9 : memref<64xi32, #tpu.memory_space<vmem>>) semaphore(%arg17 : memref<!tpu.dma_semaphore, #tpu.memory_space<semaphore_mem>>)
      } else {
      }
      %mul3A_46 = arith.constant 32 : i32
      %mul3A_47 = arith.muli %mul3A_46, %add3A_21 : i32
      %add3A_48 = arith.addi %add3A, %mul3A_47 : i32
      %lt3A_49 = arith.constant 5000 : i32
      %lt3A_50 = arith.cmpi slt, %add3A_48, %lt3A_49 : i32
      %convert_element_type3A_51 = arith.extui %lt3A_50 : i1 to i32
      %cond3A_52 = arith.constant 0 : i32
      %cond3A_53 = arith.cmpi ne, %convert_element_type3A_51, %cond3A_52 : i32
      scf.if %cond3A_53 {
        %mul3A_86 = arith.constant 32 : i32
        %mul3A_87 = arith.muli %mul3A_86, %add3A_21 : i32
        %add3A_88 = arith.addi %add3A, %mul3A_87 : i32
        %mul3A_89 = arith.constant 64 : i32
        %mul3A_90 = arith.muli %add3A_88, %mul3A_89 : i32
        %dma_wait3A = tpu.memref_slice %arg3[%mul3A_90] : memref<320000xi32, #tpu.memory_space<hbm>> -> memref<64xi32, #tpu.memory_space<hbm>>
        %dma_wait3A_91 = tpu.memref_slice %arg3[%mul3A_90] : memref<320000xi32, #tpu.memory_space<hbm>> -> memref<64xi32, #tpu.memory_space<hbm>>
        tpu.wait_dma2 semaphore(%arg18 : memref<!tpu.dma_semaphore, #tpu.memory_space<semaphore_mem>>) src(%dma_wait3A_91 : memref<64xi32, #tpu.memory_space<hbm>>) dst(%arg10 : memref<64xi32, #tpu.memory_space<vmem>>)
        %mul3A_92 = arith.constant 32 : i32
        %mul3A_93 = arith.muli %mul3A_92, %add3A_21 : i32
        %add3A_94 = arith.addi %add3A, %mul3A_93 : i32
        %mul3A_95 = arith.constant 64 : i32
        %mul3A_96 = arith.muli %add3A_94, %mul3A_95 : i32
        %dma_wait3A_97 = tpu.memref_slice %arg4[%mul3A_96] : memref<320000xi32, #tpu.memory_space<hbm>> -> memref<64xi32, #tpu.memory_space<hbm>>
        %dma_wait3A_98 = tpu.memref_slice %arg4[%mul3A_96] : memref<320000xi32, #tpu.memory_space<hbm>> -> memref<64xi32, #tpu.memory_space<hbm>>
        tpu.wait_dma2 semaphore(%arg19 : memref<!tpu.dma_semaphore, #tpu.memory_space<semaphore_mem>>) src(%dma_wait3A_98 : memref<64xi32, #tpu.memory_space<hbm>>) dst(%arg11 : memref<64xi32, #tpu.memory_space<vmem>>)
        %dma_start3A = arith.constant 0 : i32
        %dma_start3A_99 = arith.constant 0 : i32
        %dma_start3A_100 = tpu.memref_slice %arg7[%dma_start3A, %dma_start3A_99] : memref<10000x128xf32, #tpu.memory_space<vmem_shared>> -> memref<10000x128xf32, #tpu.memory_space<vmem_shared>>
        tpu.enqueue_indirect_dma source(%dma_start3A_100 : memref<10000x128xf32, #tpu.memory_space<vmem_shared>>) target(%arg14 : memref<64x128xf32, #tpu.memory_space<vmem>>) offsets(%arg10 : memref<64xi32, #tpu.memory_space<vmem>>) semaphore(%arg18 : memref<!tpu.dma_semaphore, #tpu.memory_space<semaphore_mem>>)
        %dma_start3A_101 = arith.constant 0 : i32
        %dma_start3A_102 = arith.constant 0 : i32
        %dma_start3A_103 = tpu.memref_slice %arg7[%dma_start3A_101, %dma_start3A_102] : memref<10000x128xf32, #tpu.memory_space<vmem_shared>> -> memref<10000x128xf32, #tpu.memory_space<vmem_shared>>
        tpu.enqueue_indirect_dma source(%dma_start3A_103 : memref<10000x128xf32, #tpu.memory_space<vmem_shared>>) target(%arg15 : memref<64x128xf32, #tpu.memory_space<vmem>>) offsets(%arg11 : memref<64xi32, #tpu.memory_space<vmem>>) semaphore(%arg19 : memref<!tpu.dma_semaphore, #tpu.memory_space<semaphore_mem>>)
      } else {
      }
      %mul3A_54 = arith.constant 32 : i32
      %mul3A_55 = arith.muli %mul3A_54, %mul3A_17 : i32
      %add3A_56 = arith.addi %add3A, %mul3A_55 : i32
      %lt3A_57 = arith.constant 5000 : i32
      %lt3A_58 = arith.cmpi slt, %add3A_56, %lt3A_57 : i32
      %convert_element_type3A_59 = arith.extui %lt3A_58 : i1 to i32
      %cond3A_60 = arith.constant 0 : i32
      %cond3A_61 = arith.cmpi ne, %convert_element_type3A_59, %cond3A_60 : i32
      scf.if %cond3A_61 {
        %dma_wait3A = arith.constant 0 : i32
        %dma_wait3A_86 = arith.constant 0 : i32
        %dma_wait3A_87 = tpu.memref_slice %arg7[%dma_wait3A, %dma_wait3A_86] : memref<10000x128xf32, #tpu.memory_space<vmem_shared>> -> memref<10000x128xf32, #tpu.memory_space<vmem_shared>>
        tpu.wait_indirect_dma semaphore(%arg16 : memref<!tpu.dma_semaphore, #tpu.memory_space<semaphore_mem>>) src(%dma_wait3A_87 : memref<10000x128xf32, #tpu.memory_space<vmem_shared>>) dst(%arg12 : memref<64x128xf32, #tpu.memory_space<vmem>>)
        %dma_wait3A_88 = arith.constant 0 : i32
        %dma_wait3A_89 = arith.constant 0 : i32
        %dma_wait3A_90 = tpu.memref_slice %arg7[%dma_wait3A_88, %dma_wait3A_89] : memref<10000x128xf32, #tpu.memory_space<vmem_shared>> -> memref<10000x128xf32, #tpu.memory_space<vmem_shared>>
        tpu.wait_indirect_dma semaphore(%arg17 : memref<!tpu.dma_semaphore, #tpu.memory_space<semaphore_mem>>) src(%dma_wait3A_90 : memref<10000x128xf32, #tpu.memory_space<vmem_shared>>) dst(%arg13 : memref<64x128xf32, #tpu.memory_space<vmem>>)
        %mul3A_91 = arith.constant 32 : i32
        %mul3A_92 = arith.muli %mul3A_91, %mul3A_17 : i32
        %add3A_93 = arith.addi %add3A, %mul3A_92 : i32
        %mul3A_94 = arith.constant 64 : i32
        %mul3A_95 = arith.muli %add3A_93, %mul3A_94 : i32
        %dma_start3A = arith.constant 0 : i32
        %dma_start3A_96 = tpu.memref_slice %arg5[%mul3A_95, %dma_start3A] : memref<320000x128xf32, #tpu.memory_space<hbm>> -> memref<64x128xf32, #tpu.memory_space<hbm>>
        %dma_start3A_97 = arith.constant 0 : i32
        %dma_start3A_98 = tpu.memref_slice %arg5[%mul3A_95, %dma_start3A_97] : memref<320000x128xf32, #tpu.memory_space<hbm>> -> memref<64x128xf32, #tpu.memory_space<hbm>>
        tpu.enqueue_dma source(%arg12 : memref<64x128xf32, #tpu.memory_space<vmem>>) target(%dma_start3A_98 : memref<64x128xf32, #tpu.memory_space<hbm>>) target_semaphore(%arg16 : memref<!tpu.dma_semaphore, #tpu.memory_space<semaphore_mem>>)
        %mul3A_99 = arith.constant 32 : i32
        %mul3A_100 = arith.muli %mul3A_99, %mul3A_17 : i32
        %add3A_101 = arith.addi %add3A, %mul3A_100 : i32
        %mul3A_102 = arith.constant 64 : i32
        %mul3A_103 = arith.muli %add3A_101, %mul3A_102 : i32
        %dma_start3A_104 = arith.constant 0 : i32
        %dma_start3A_105 = tpu.memref_slice %arg6[%mul3A_103, %dma_start3A_104] : memref<320000x128xf32, #tpu.memory_space<hbm>> -> memref<64x128xf32, #tpu.memory_space<hbm>>
        %dma_start3A_106 = arith.constant 0 : i32
        %dma_start3A_107 = tpu.memref_slice %arg6[%mul3A_103, %dma_start3A_106] : memref<320000x128xf32, #tpu.memory_space<hbm>> -> memref<64x128xf32, #tpu.memory_space<hbm>>
        tpu.enqueue_dma source(%arg13 : memref<64x128xf32, #tpu.memory_space<vmem>>) target(%dma_start3A_107 : memref<64x128xf32, #tpu.memory_space<hbm>>) target_semaphore(%arg17 : memref<!tpu.dma_semaphore, #tpu.memory_space<semaphore_mem>>)
      } else {
      }
      %mul3A_62 = arith.constant 32 : i32
      %mul3A_63 = arith.muli %mul3A_62, %add3A_21 : i32
      %add3A_64 = arith.addi %add3A, %mul3A_63 : i32
      %lt3A_65 = arith.constant 5000 : i32
      %lt3A_66 = arith.cmpi slt, %add3A_64, %lt3A_65 : i32
      %convert_element_type3A_67 = arith.extui %lt3A_66 : i1 to i32
      %cond3A_68 = arith.constant 0 : i32
      %cond3A_69 = arith.cmpi ne, %convert_element_type3A_67, %cond3A_68 : i32
      scf.if %cond3A_69 {
        %dma_wait3A = arith.constant 0 : i32
        %dma_wait3A_86 = arith.constant 0 : i32
        %dma_wait3A_87 = tpu.memref_slice %arg7[%dma_wait3A, %dma_wait3A_86] : memref<10000x128xf32, #tpu.memory_space<vmem_shared>> -> memref<10000x128xf32, #tpu.memory_space<vmem_shared>>
        tpu.wait_indirect_dma semaphore(%arg18 : memref<!tpu.dma_semaphore, #tpu.memory_space<semaphore_mem>>) src(%dma_wait3A_87 : memref<10000x128xf32, #tpu.memory_space<vmem_shared>>) dst(%arg14 : memref<64x128xf32, #tpu.memory_space<vmem>>)
        %dma_wait3A_88 = arith.constant 0 : i32
        %dma_wait3A_89 = arith.constant 0 : i32
        %dma_wait3A_90 = tpu.memref_slice %arg7[%dma_wait3A_88, %dma_wait3A_89] : memref<10000x128xf32, #tpu.memory_space<vmem_shared>> -> memref<10000x128xf32, #tpu.memory_space<vmem_shared>>
        tpu.wait_indirect_dma semaphore(%arg19 : memref<!tpu.dma_semaphore, #tpu.memory_space<semaphore_mem>>) src(%dma_wait3A_90 : memref<10000x128xf32, #tpu.memory_space<vmem_shared>>) dst(%arg15 : memref<64x128xf32, #tpu.memory_space<vmem>>)
        %mul3A_91 = arith.constant 32 : i32
        %mul3A_92 = arith.muli %mul3A_91, %add3A_21 : i32
        %add3A_93 = arith.addi %add3A, %mul3A_92 : i32
        %mul3A_94 = arith.constant 64 : i32
        %mul3A_95 = arith.muli %add3A_93, %mul3A_94 : i32
        %dma_start3A = arith.constant 0 : i32
        %dma_start3A_96 = tpu.memref_slice %arg5[%mul3A_95, %dma_start3A] : memref<320000x128xf32, #tpu.memory_space<hbm>> -> memref<64x128xf32, #tpu.memory_space<hbm>>
        %dma_start3A_97 = arith.constant 0 : i32
        %dma_start3A_98 = tpu.memref_slice %arg5[%mul3A_95, %dma_start3A_97] : memref<320000x128xf32, #tpu.memory_space<hbm>> -> memref<64x128xf32, #tpu.memory_space<hbm>>
        tpu.enqueue_dma source(%arg14 : memref<64x128xf32, #tpu.memory_space<vmem>>) target(%dma_start3A_98 : memref<64x128xf32, #tpu.memory_space<hbm>>) target_semaphore(%arg18 : memref<!tpu.dma_semaphore, #tpu.memory_space<semaphore_mem>>)
        %mul3A_99 = arith.constant 32 : i32
        %mul3A_100 = arith.muli %mul3A_99, %add3A_21 : i32
        %add3A_101 = arith.addi %add3A, %mul3A_100 : i32
        %mul3A_102 = arith.constant 64 : i32
        %mul3A_103 = arith.muli %add3A_101, %mul3A_102 : i32
        %dma_start3A_104 = arith.constant 0 : i32
        %dma_start3A_105 = tpu.memref_slice %arg6[%mul3A_103, %dma_start3A_104] : memref<320000x128xf32, #tpu.memory_space<hbm>> -> memref<64x128xf32, #tpu.memory_space<hbm>>
        %dma_start3A_106 = arith.constant 0 : i32
        %dma_start3A_107 = tpu.memref_slice %arg6[%mul3A_103, %dma_start3A_106] : memref<320000x128xf32, #tpu.memory_space<hbm>> -> memref<64x128xf32, #tpu.memory_space<hbm>>
        tpu.enqueue_dma source(%arg15 : memref<64x128xf32, #tpu.memory_space<vmem>>) target(%dma_start3A_107 : memref<64x128xf32, #tpu.memory_space<hbm>>) target_semaphore(%arg19 : memref<!tpu.dma_semaphore, #tpu.memory_space<semaphore_mem>>)
      } else {
      }
      %mul3A_70 = arith.constant 32 : i32
      %mul3A_71 = arith.muli %mul3A_70, %mul3A_17 : i32
      %add3A_72 = arith.addi %add3A, %mul3A_71 : i32
      %lt3A_73 = arith.constant 5000 : i32
      %lt3A_74 = arith.cmpi slt, %add3A_72, %lt3A_73 : i32
      %convert_element_type3A_75 = arith.extui %lt3A_74 : i1 to i32
      %cond3A_76 = arith.constant 0 : i32
      %cond3A_77 = arith.cmpi ne, %convert_element_type3A_75, %cond3A_76 : i32
      scf.if %cond3A_77 {
        %mul3A_86 = arith.constant 32 : i32
        %mul3A_87 = arith.muli %mul3A_86, %mul3A_17 : i32
        %add3A_88 = arith.addi %add3A, %mul3A_87 : i32
        %mul3A_89 = arith.constant 64 : i32
        %mul3A_90 = arith.muli %add3A_88, %mul3A_89 : i32
        %dma_wait3A = arith.constant 0 : i32
        %dma_wait3A_91 = tpu.memref_slice %arg5[%mul3A_90, %dma_wait3A] : memref<320000x128xf32, #tpu.memory_space<hbm>> -> memref<64x128xf32, #tpu.memory_space<hbm>>
        %dma_wait3A_92 = arith.constant 0 : i32
        %dma_wait3A_93 = tpu.memref_slice %arg5[%mul3A_90, %dma_wait3A_92] : memref<320000x128xf32, #tpu.memory_space<hbm>> -> memref<64x128xf32, #tpu.memory_space<hbm>>
        tpu.wait_dma2 semaphore(%arg16 : memref<!tpu.dma_semaphore, #tpu.memory_space<semaphore_mem>>) src(%arg12 : memref<64x128xf32, #tpu.memory_space<vmem>>) dst(%dma_wait3A_93 : memref<64x128xf32, #tpu.memory_space<hbm>>)
        %mul3A_94 = arith.constant 32 : i32
        %mul3A_95 = arith.muli %mul3A_94, %mul3A_17 : i32
        %add3A_96 = arith.addi %add3A, %mul3A_95 : i32
        %mul3A_97 = arith.constant 64 : i32
        %mul3A_98 = arith.muli %add3A_96, %mul3A_97 : i32
        %dma_wait3A_99 = arith.constant 0 : i32
        %dma_wait3A_100 = tpu.memref_slice %arg6[%mul3A_98, %dma_wait3A_99] : memref<320000x128xf32, #tpu.memory_space<hbm>> -> memref<64x128xf32, #tpu.memory_space<hbm>>
        %dma_wait3A_101 = arith.constant 0 : i32
        %dma_wait3A_102 = tpu.memref_slice %arg6[%mul3A_98, %dma_wait3A_101] : memref<320000x128xf32, #tpu.memory_space<hbm>> -> memref<64x128xf32, #tpu.memory_space<hbm>>
        tpu.wait_dma2 semaphore(%arg17 : memref<!tpu.dma_semaphore, #tpu.memory_space<semaphore_mem>>) src(%arg13 : memref<64x128xf32, #tpu.memory_space<vmem>>) dst(%dma_wait3A_102 : memref<64x128xf32, #tpu.memory_space<hbm>>)
      } else {
      }
      %mul3A_78 = arith.constant 32 : i32
      %mul3A_79 = arith.muli %mul3A_78, %add3A_21 : i32
      %add3A_80 = arith.addi %add3A, %mul3A_79 : i32
      %lt3A_81 = arith.constant 5000 : i32
      %lt3A_82 = arith.cmpi slt, %add3A_80, %lt3A_81 : i32
      %convert_element_type3A_83 = arith.extui %lt3A_82 : i1 to i32
      %cond3A_84 = arith.constant 0 : i32
      %cond3A_85 = arith.cmpi ne, %convert_element_type3A_83, %cond3A_84 : i32
      scf.if %cond3A_85 {
        %mul3A_86 = arith.constant 32 : i32
        %mul3A_87 = arith.muli %mul3A_86, %add3A_21 : i32
        %add3A_88 = arith.addi %add3A, %mul3A_87 : i32
        %mul3A_89 = arith.constant 64 : i32
        %mul3A_90 = arith.muli %add3A_88, %mul3A_89 : i32
        %dma_wait3A = arith.constant 0 : i32
        %dma_wait3A_91 = tpu.memref_slice %arg5[%mul3A_90, %dma_wait3A] : memref<320000x128xf32, #tpu.memory_space<hbm>> -> memref<64x128xf32, #tpu.memory_space<hbm>>
        %dma_wait3A_92 = arith.constant 0 : i32
        %dma_wait3A_93 = tpu.memref_slice %arg5[%mul3A_90, %dma_wait3A_92] : memref<320000x128xf32, #tpu.memory_space<hbm>> -> memref<64x128xf32, #tpu.memory_space<hbm>>
        tpu.wait_dma2 semaphore(%arg18 : memref<!tpu.dma_semaphore, #tpu.memory_space<semaphore_mem>>) src(%arg14 : memref<64x128xf32, #tpu.memory_space<vmem>>) dst(%dma_wait3A_93 : memref<64x128xf32, #tpu.memory_space<hbm>>)
        %mul3A_94 = arith.constant 32 : i32
        %mul3A_95 = arith.muli %mul3A_94, %add3A_21 : i32
        %add3A_96 = arith.addi %add3A, %mul3A_95 : i32
        %mul3A_97 = arith.constant 64 : i32
        %mul3A_98 = arith.muli %add3A_96, %mul3A_97 : i32
        %dma_wait3A_99 = arith.constant 0 : i32
        %dma_wait3A_100 = tpu.memref_slice %arg6[%mul3A_98, %dma_wait3A_99] : memref<320000x128xf32, #tpu.memory_space<hbm>> -> memref<64x128xf32, #tpu.memory_space<hbm>>
        %dma_wait3A_101 = arith.constant 0 : i32
        %dma_wait3A_102 = tpu.memref_slice %arg6[%mul3A_98, %dma_wait3A_101] : memref<320000x128xf32, #tpu.memory_space<hbm>> -> memref<64x128xf32, #tpu.memory_space<hbm>>
        tpu.wait_dma2 semaphore(%arg19 : memref<!tpu.dma_semaphore, #tpu.memory_space<semaphore_mem>>) src(%arg15 : memref<64x128xf32, #tpu.memory_space<vmem>>) dst(%dma_wait3A_102 : memref<64x128xf32, #tpu.memory_space<hbm>>)
      } else {
      }
    }
    %scan3A_10 = arith.constant 79 : i32
    return
  }
}

module attributes {stable_mosaic.version = 14 : i64} {
  func.func @_mlp_body(%arg0: i32, %arg1: memref<1280x128xf32, #tpu.memory_space<vmem>>, %arg2: memref<1280x128xf32, #tpu.memory_space<vmem>>, %arg3: memref<1280x16xf32, #tpu.memory_space<vmem>>, %arg4: memref<128x128xf32, #tpu.memory_space<vmem>>, %arg5: memref<128x128xf32, #tpu.memory_space<vmem>>, %arg6: memref<16x128xf32, #tpu.memory_space<vmem>>, %arg7: memref<1x128xf32, #tpu.memory_space<vmem>>, %arg8: memref<128x64xf32, #tpu.memory_space<vmem>>, %arg9: memref<1x64xf32, #tpu.memory_space<vmem>>, %arg10: memref<1280x128xf32, #tpu.memory_space<vmem>>, %arg11: memref<1280x128xf32, #tpu.memory_space<vmem>>) attributes {dimension_semantics = [#tpu.dimension_semantics<arbitrary>], iteration_bounds = array<i64: 250>, scalar_prefetch = 0 : i64, scratch_operands = 0 : i64, tpu.core_type = #tpu.core_type<tc>, window_params = [{transform_indices = @transform_0, window_bounds = array<i64: 1280, 128>}, {transform_indices = @transform_1, window_bounds = array<i64: 1280, 128>}, {transform_indices = @transform_2, window_bounds = array<i64: 1280, 16>}, {pipeline_mode = #tpu.pipeline_mode<synchronous>, transform_indices = @transform_3, window_bounds = array<i64: 128, 128>}, {pipeline_mode = #tpu.pipeline_mode<synchronous>, transform_indices = @transform_4, window_bounds = array<i64: 128, 128>}, {pipeline_mode = #tpu.pipeline_mode<synchronous>, transform_indices = @transform_5, window_bounds = array<i64: 16, 128>}, {pipeline_mode = #tpu.pipeline_mode<synchronous>, transform_indices = @transform_6, window_bounds = array<i64: 1, 128>}, {pipeline_mode = #tpu.pipeline_mode<synchronous>, transform_indices = @transform_7, window_bounds = array<i64: 128, 64>}, {pipeline_mode = #tpu.pipeline_mode<synchronous>, transform_indices = @transform_8, window_bounds = array<i64: 1, 64>}, {transform_indices = @transform_9, window_bounds = array<i64: 1280, 128>}, {transform_indices = @transform_10, window_bounds = array<i64: 1280, 128>}]} {
    %get3A = arith.constant 0 : index
    %get3A_0 = arith.constant 0 : index
    %get3A_1 = vector.load %arg2[%get3A, %get3A_0] : memref<1280x128xf32, #tpu.memory_space<vmem>>, vector<1280x128xf32>
    %get3A_2 = arith.constant 0 : index
    %get3A_3 = arith.constant 0 : index
    %get3A_4 = vector.load %arg1[%get3A_2, %get3A_3] : memref<1280x128xf32, #tpu.memory_space<vmem>>, vector<1280x128xf32>
    %sub3A = arith.subf %get3A_1, %get3A_4 : vector<1280x128xf32>
    %mul3A = arith.mulf %sub3A, %sub3A : vector<1280x128xf32>
    %get3A_5 = arith.constant 0 : index
    %get3A_6 = arith.constant 0 : index
    %get3A_7 = vector.load %arg4[%get3A_5, %get3A_6] : memref<128x128xf32, #tpu.memory_space<vmem>>, vector<128x128xf32>
    %dot_general3A = arith.constant dense<0.000000e+00> : vector<1280x128xf32>
    %dot_general3A_8 = tpu.matmul %sub3A, %get3A_7, %dot_general3A {dimension_numbers = #tpu.dot_dimension_numbers<[1], [0], [0], [1], [0, 0, 1, 1], [], []>, transpose_lhs_hint = false} : vector<1280x128xf32>, vector<128x128xf32>, vector<1280x128xf32> -> vector<1280x128xf32>
    %get3A_9 = arith.constant 0 : index
    %get3A_10 = arith.constant 0 : index
    %get3A_11 = vector.load %arg5[%get3A_9, %get3A_10] : memref<128x128xf32, #tpu.memory_space<vmem>>, vector<128x128xf32>
    %dot_general3A_12 = arith.constant dense<0.000000e+00> : vector<1280x128xf32>
    %dot_general3A_13 = tpu.matmul %mul3A, %get3A_11, %dot_general3A_12 {dimension_numbers = #tpu.dot_dimension_numbers<[1], [0], [0], [1], [0, 0, 1, 1], [], []>, transpose_lhs_hint = false} : vector<1280x128xf32>, vector<128x128xf32>, vector<1280x128xf32> -> vector<1280x128xf32>
    %get3A_14 = arith.constant 0 : index
    %get3A_15 = arith.constant 0 : index
    %get3A_16 = vector.load %arg3[%get3A_14, %get3A_15] : memref<1280x16xf32, #tpu.memory_space<vmem>>, vector<1280x16xf32>
    %get3A_17 = arith.constant 0 : index
    %get3A_18 = arith.constant 0 : index
    %get3A_19 = vector.load %arg6[%get3A_17, %get3A_18] : memref<16x128xf32, #tpu.memory_space<vmem>>, vector<16x128xf32>
    %dot_general3A_20 = arith.constant dense<0.000000e+00> : vector<1280x128xf32>
    %dot_general3A_21 = tpu.matmul %get3A_16, %get3A_19, %dot_general3A_20 {dimension_numbers = #tpu.dot_dimension_numbers<[1], [0], [0], [1], [0, 0, 1, 1], [], []>, transpose_lhs_hint = false} : vector<1280x16xf32>, vector<16x128xf32>, vector<1280x128xf32> -> vector<1280x128xf32>
    %get3A_22 = arith.constant 0 : index
    %get3A_23 = arith.constant 0 : index
    %get3A_24 = vector.load %arg7[%get3A_22, %get3A_23] : memref<1x128xf32, #tpu.memory_space<vmem>>, vector<1x128xf32>
    %add3A = vector.broadcast %get3A_24 : vector<1x128xf32> to vector<1280x128xf32>
    %add3A_25 = arith.addf %dot_general3A_13, %add3A : vector<1280x128xf32>
    %add3A_26 = arith.addf %dot_general3A_8, %dot_general3A_21 : vector<1280x128xf32>
    %add3A_27 = arith.addf %add3A_25, %add3A_26 : vector<1280x128xf32>
    %max3A = arith.constant 0.000000e+00 : f32
    %max3A_28 = vector.broadcast %max3A : f32 to vector<1280x128xf32>
    %max3A_29 = arith.maximumf %add3A_27, %max3A_28 : vector<1280x128xf32>
    %sub3A_30 = arith.subf %add3A_25, %add3A_26 : vector<1280x128xf32>
    %max3A_31 = arith.constant 0.000000e+00 : f32
    %max3A_32 = vector.broadcast %max3A_31 : f32 to vector<1280x128xf32>
    %max3A_33 = arith.maximumf %sub3A_30, %max3A_32 : vector<1280x128xf32>
    %get3A_34 = arith.constant 0 : index
    %get3A_35 = arith.constant 0 : index
    %get3A_36 = vector.load %arg9[%get3A_34, %get3A_35] : memref<1x64xf32, #tpu.memory_space<vmem>>, vector<1x64xf32>
    %get3A_37 = arith.constant 0 : index
    %get3A_38 = arith.constant 0 : index
    %get3A_39 = vector.load %arg8[%get3A_37, %get3A_38] : memref<128x64xf32, #tpu.memory_space<vmem>>, vector<128x64xf32>
    %dot_general3A_40 = arith.constant dense<0.000000e+00> : vector<1280x64xf32>
    %dot_general3A_41 = tpu.matmul %max3A_29, %get3A_39, %dot_general3A_40 {dimension_numbers = #tpu.dot_dimension_numbers<[1], [0], [0], [1], [0, 0, 1, 1], [], []>, transpose_lhs_hint = false} : vector<1280x128xf32>, vector<128x64xf32>, vector<1280x64xf32> -> vector<1280x64xf32>
    %add3A_42 = vector.broadcast %get3A_36 : vector<1x64xf32> to vector<1280x64xf32>
    %add3A_43 = arith.addf %dot_general3A_41, %add3A_42 : vector<1280x64xf32>
    %max3A_44 = arith.constant 0.000000e+00 : f32
    %max3A_45 = vector.broadcast %max3A_44 : f32 to vector<1280x64xf32>
    %max3A_46 = arith.maximumf %add3A_43, %max3A_45 : vector<1280x64xf32>
    %dot_general3A_47 = arith.constant dense<0.000000e+00> : vector<1280x64xf32>
    %dot_general3A_48 = tpu.matmul %max3A_33, %get3A_39, %dot_general3A_47 {dimension_numbers = #tpu.dot_dimension_numbers<[1], [0], [0], [1], [0, 0, 1, 1], [], []>, transpose_lhs_hint = false} : vector<1280x128xf32>, vector<128x64xf32>, vector<1280x64xf32> -> vector<1280x64xf32>
    %add3A_49 = vector.broadcast %get3A_36 : vector<1x64xf32> to vector<1280x64xf32>
    %add3A_50 = arith.addf %dot_general3A_48, %add3A_49 : vector<1280x64xf32>
    %max3A_51 = arith.constant 0.000000e+00 : f32
    %max3A_52 = vector.broadcast %max3A_51 : f32 to vector<1280x64xf32>
    %max3A_53 = arith.maximumf %add3A_50, %max3A_52 : vector<1280x64xf32>
    %iota3A = tpu.iota {dimensions = array<i32: 1>} : vector<1280x64xi32>
    %eq3A = arith.constant 0 : i32
    %eq3A_54 = vector.broadcast %eq3A : i32 to vector<1280x64xi32>
    %eq3A_55 = arith.cmpi eq, %iota3A, %eq3A_54 : vector<1280x64xi32>
    %jit3A = arith.constant 1.000000e+00 : f32
    %jit3A_56 = arith.constant 0.000000e+00 : f32
    %broadcast_in_dim3A = vector.broadcast %jit3A : f32 to vector<1280x64xf32>
    %broadcast_in_dim3A_57 = vector.broadcast %jit3A_56 : f32 to vector<1280x64xf32>
    %select_n3A = arith.select %eq3A_55, %broadcast_in_dim3A, %broadcast_in_dim3A_57 : vector<1280x64xi1>, vector<1280x64xf32>
    %concatenate3A = tpu.concatenate %max3A_46, %select_n3A in 1 : vector<1280x64xf32>, vector<1280x64xf32> -> vector<1280x128xf32>
    %swap3A = arith.constant 0 : index
    %swap3A_58 = arith.constant 0 : index
    %swap3A_59 = vector.load %arg10[%swap3A, %swap3A_58] : memref<1280x128xf32, #tpu.memory_space<vmem>>, vector<1280x128xf32>
    tpu.vector_store %arg10[%swap3A, %swap3A_58], %concatenate3A {strides = array<i32>} : memref<1280x128xf32, #tpu.memory_space<vmem>>, vector<1280x128xf32>,
    %concatenate3A_60 = tpu.concatenate %max3A_53, %select_n3A in 1 : vector<1280x64xf32>, vector<1280x64xf32> -> vector<1280x128xf32>
    %swap3A_61 = arith.constant 0 : index
    %swap3A_62 = arith.constant 0 : index
    %swap3A_63 = vector.load %arg11[%swap3A_61, %swap3A_62] : memref<1280x128xf32, #tpu.memory_space<vmem>>, vector<1280x128xf32>
    tpu.vector_store %arg11[%swap3A_61, %swap3A_62], %concatenate3A_60 {strides = array<i32>} : memref<1280x128xf32, #tpu.memory_space<vmem>>, vector<1280x128xf32>,
    return
  }
  func.func @transform_0(%arg0: i32) -> (i32, i32) {
    %c0_i32 = arith.constant 0 : i32
    %c0_i32_0 = arith.constant 0 : i32
    return %arg0, %c0_i32 : i32, i32
  }
  func.func @transform_1(%arg0: i32) -> (i32, i32) {
    %c0_i32 = arith.constant 0 : i32
    %c0_i32_0 = arith.constant 0 : i32
    return %arg0, %c0_i32 : i32, i32
  }
  func.func @transform_2(%arg0: i32) -> (i32, i32) {
    %c0_i32 = arith.constant 0 : i32
    %c0_i32_0 = arith.constant 0 : i32
    return %arg0, %c0_i32 : i32, i32
  }
  func.func @transform_3(%arg0: i32) -> (i32, i32) {
    %c0_i32 = arith.constant 0 : i32
    %c0_i32_0 = arith.constant 0 : i32
    %c0_i32_1 = arith.constant 0 : i32
    return %c0_i32, %c0_i32_0 : i32, i32
  }
  func.func @transform_4(%arg0: i32) -> (i32, i32) {
    %c0_i32 = arith.constant 0 : i32
    %c0_i32_0 = arith.constant 0 : i32
    %c0_i32_1 = arith.constant 0 : i32
    return %c0_i32, %c0_i32_0 : i32, i32
  }
  func.func @transform_5(%arg0: i32) -> (i32, i32) {
    %c0_i32 = arith.constant 0 : i32
    %c0_i32_0 = arith.constant 0 : i32
    %c0_i32_1 = arith.constant 0 : i32
    return %c0_i32, %c0_i32_0 : i32, i32
  }
  func.func @transform_6(%arg0: i32) -> (i32, i32) {
    %c0_i32 = arith.constant 0 : i32
    %c0_i32_0 = arith.constant 0 : i32
    %c0_i32_1 = arith.constant 0 : i32
    return %c0_i32, %c0_i32_0 : i32, i32
  }
  func.func @transform_7(%arg0: i32) -> (i32, i32) {
    %c0_i32 = arith.constant 0 : i32
    %c0_i32_0 = arith.constant 0 : i32
    %c0_i32_1 = arith.constant 0 : i32
    return %c0_i32, %c0_i32_0 : i32, i32
  }
  func.func @transform_8(%arg0: i32) -> (i32, i32) {
    %c0_i32 = arith.constant 0 : i32
    %c0_i32_0 = arith.constant 0 : i32
    %c0_i32_1 = arith.constant 0 : i32
    return %c0_i32, %c0_i32_0 : i32, i32
  }
  func.func @transform_9(%arg0: i32) -> (i32, i32) {
    %c0_i32 = arith.constant 0 : i32
    %c0_i32_0 = arith.constant 0 : i32
    return %arg0, %c0_i32 : i32, i32
  }
  func.func @transform_10(%arg0: i32) -> (i32, i32) {
    %c0_i32 = arith.constant 0 : i32
    %c0_i32_0 = arith.constant 0 : i32
    return %arg0, %c0_i32 : i32, i32
  }
}

module attributes {stable_mosaic.version = 14 : i64} {
  func.func @_final_body(%arg0: memref<10000x128xf32, #tpu.memory_space<vmem>>, %arg1: memref<2x10000x128xf32, #tpu.memory_space<vmem>>, %arg2: memref<128x128xf32, #tpu.memory_space<vmem>>, %arg3: memref<128x128xf32, #tpu.memory_space<vmem>>, %arg4: memref<64x128xf32, #tpu.memory_space<vmem>>, %arg5: memref<1x128xf32, #tpu.memory_space<vmem>>, %arg6: memref<10000x128xf32, #tpu.memory_space<vmem>>) attributes {dimension_semantics = [], scalar_prefetch = 0 : i64, scratch_operands = 0 : i64, tpu.core_type = #tpu.core_type<tc>} {
    %get3A = arith.constant 0 : index
    %get3A_0 = arith.constant 0 : index
    %get3A_1 = vector.load %arg0[%get3A, %get3A_0] : memref<10000x128xf32, #tpu.memory_space<vmem>>, vector<10000x128xf32>
    %get3A_2 = arith.constant 0 : index
    %get3A_3 = arith.constant 0 : index
    %get3A_4 = arith.constant 0 : index
    %get3A_5 = vector.load %arg1[%get3A_2, %get3A_3, %get3A_4] : memref<2x10000x128xf32, #tpu.memory_space<vmem>>, vector<1x10000x128xf32>
    %get3A_6 = vector.shape_cast %get3A_5 : vector<1x10000x128xf32> to vector<10000x128xf32>
    %get3A_7 = arith.constant 1 : index
    %get3A_8 = arith.constant 0 : index
    %get3A_9 = arith.constant 0 : index
    %get3A_10 = vector.load %arg1[%get3A_7, %get3A_8, %get3A_9] : memref<2x10000x128xf32, #tpu.memory_space<vmem>>, vector<1x10000x128xf32>
    %get3A_11 = vector.shape_cast %get3A_10 : vector<1x10000x128xf32> to vector<10000x128xf32>
    %add3A = arith.addf %get3A_6, %get3A_11 : vector<10000x128xf32>
    %slice3A = vector.extract_strided_slice %add3A {offsets = [0, 0], sizes = [10000, 64], strides = [1, 1]} : vector<10000x128xf32> to vector<10000x64xf32>
    %slice3A_12 = vector.extract_strided_slice %add3A {offsets = [0, 64], sizes = [10000, 1], strides = [1, 1]} : vector<10000x128xf32> to vector<10000x1xf32>
    %max3A = arith.constant 1.000000e+00 : f32
    %max3A_13 = vector.broadcast %max3A : f32 to vector<10000x1xf32>
    %max3A_14 = arith.maximumf %slice3A_12, %max3A_13 : vector<10000x1xf32>
    %div3A = vector.broadcast %max3A_14 : vector<10000x1xf32> to vector<10000x64xf32>
    %div3A_15 = arith.divf %slice3A, %div3A : vector<10000x64xf32>
    %get3A_16 = arith.constant 0 : index
    %get3A_17 = arith.constant 0 : index
    %get3A_18 = vector.load %arg2[%get3A_16, %get3A_17] : memref<128x128xf32, #tpu.memory_space<vmem>>, vector<128x128xf32>
    %dot_general3A = arith.constant dense<0.000000e+00> : vector<10000x128xf32>
    %dot_general3A_19 = tpu.matmul %get3A_1, %get3A_18, %dot_general3A {dimension_numbers = #tpu.dot_dimension_numbers<[1], [0], [0], [1], [0, 0, 1, 1], [], []>, transpose_lhs_hint = false} : vector<10000x128xf32>, vector<128x128xf32>, vector<10000x128xf32> -> vector<10000x128xf32>
    %mul3A = arith.mulf %get3A_1, %get3A_1 : vector<10000x128xf32>
    %get3A_20 = arith.constant 0 : index
    %get3A_21 = arith.constant 0 : index
    %get3A_22 = vector.load %arg3[%get3A_20, %get3A_21] : memref<128x128xf32, #tpu.memory_space<vmem>>, vector<128x128xf32>
    %dot_general3A_23 = arith.constant dense<0.000000e+00> : vector<10000x128xf32>
    %dot_general3A_24 = tpu.matmul %mul3A, %get3A_22, %dot_general3A_23 {dimension_numbers = #tpu.dot_dimension_numbers<[1], [0], [0], [1], [0, 0, 1, 1], [], []>, transpose_lhs_hint = false} : vector<10000x128xf32>, vector<128x128xf32>, vector<10000x128xf32> -> vector<10000x128xf32>
    %add3A_25 = arith.addf %dot_general3A_19, %dot_general3A_24 : vector<10000x128xf32>
    %get3A_26 = arith.constant 0 : index
    %get3A_27 = arith.constant 0 : index
    %get3A_28 = vector.load %arg4[%get3A_26, %get3A_27] : memref<64x128xf32, #tpu.memory_space<vmem>>, vector<64x128xf32>
    %dot_general3A_29 = arith.constant dense<0.000000e+00> : vector<10000x128xf32>
    %dot_general3A_30 = tpu.matmul %div3A_15, %get3A_28, %dot_general3A_29 {dimension_numbers = #tpu.dot_dimension_numbers<[1], [0], [0], [1], [0, 0, 1, 1], [], []>, transpose_lhs_hint = false} : vector<10000x64xf32>, vector<64x128xf32>, vector<10000x128xf32> -> vector<10000x128xf32>
    %add3A_31 = arith.addf %add3A_25, %dot_general3A_30 : vector<10000x128xf32>
    %get3A_32 = arith.constant 0 : index
    %get3A_33 = arith.constant 0 : index
    %get3A_34 = vector.load %arg5[%get3A_32, %get3A_33] : memref<1x128xf32, #tpu.memory_space<vmem>>, vector<1x128xf32>
    %add3A_35 = vector.broadcast %get3A_34 : vector<1x128xf32> to vector<10000x128xf32>
    %add3A_36 = arith.addf %add3A_31, %add3A_35 : vector<10000x128xf32>
    %swap3A = arith.constant 0 : index
    %swap3A_37 = arith.constant 0 : index
    %swap3A_38 = vector.load %arg6[%swap3A, %swap3A_37] : memref<10000x128xf32, #tpu.memory_space<vmem>>, vector<10000x128xf32>
    tpu.vector_store %arg6[%swap3A, %swap3A_37], %add3A_36 {strides = array<i32>} : memref<10000x128xf32, #tpu.memory_space<vmem>>, vector<10000x128xf32>,
    return
  }
}

</mosaic_0001>

<sc_bundles>
// kernel: kernel.6.cloned.1.call-start
scs
__scs_entry_jumppad:
0x0: {  	(pc) =	sbr.rel $0x88, $3  }
0x1: {  	(tag) =	ssettag $0x0;
	lr =	simm.s32 $0x1  }
0x2: {  	[smem:$0x3F98] =	sst lr;
	_ =	strace $0xD0000000  }
0x3: {  	_ = 	snop  }
0x4: {  	_ = 	snop  }
0x5: {  	_ = 	snop  }
0x6: {  	_ = 	snop  }
0x7: {  	_ = 	snop  }
__scs_overlays_trampoline_lowered:
0x8: {  	[smem:$0x3FA7] =	sst s0  }
0x9: {  	[smem:$0x3FA8] =	sst s1  }
0xa: {  	[smem:$0x3FA9] =	sst s2  }
0xb: {  	[smem:$0x3FAA] =	sst s3  }
0xc: {  	[smem:$0x3FAB] =	sst s4  }
0xd: {  	[smem:$0x3FAC] =	sst s5  }
0xe: {  	[smem:$0x3FAD] =	sst s6  }
0xf: {  	[smem:$0x3FAE] =	sst s7  }
0x10: {  	[smem:$0x3FAF] =	sst s8  }
0x11: {  	[smem:$0x3FB0] =	sst s9;
	s0 =	simm.s32 @!p0 $0x0  }
0x12: {  	s1 =	sld [smem:$0x3F96];
	s0 =	simm.s32 @p0 $0x1  }
0x13: {  	[smem:$0x3FB1] =	sst s0;
	s0 =	simm.s32 @!p1 $0x0  }
0x14: {  	s2 =	sld [smem:$0x3F95];
	s0 =	simm.s32 @p1 $0x1  }
0x15: {  	[smem:$0x3FB2] =	sst s0;
	s0 =	simm.s32 @!p2 $0x0  }
0x16: {  	s3 =	sld [smem:$0x3FDB];
	s0 =	simm.s32 @p2 $0x1  }
0x17: {  	s4 =	simm.s32 $0x1BF5;
	[smem:$0x3FB4] =	sst s0  }
0x18: {  	s0 =	sld [smem:$0x3F97];
	_ =	swait.ge [sflag:s4], $0x0  }
0x19: {  	s7 =	sld [smem:$0x3F98]  }
0x1a: {  	s8 =	sadd.s32 $0xFFFFE003, lr  }
0x1b: {  	s9 =	sadd.s32 $0xFFFFFEF7, lr;
	s5 =	simm.s32 $0xFFFFFFFF;
	p2 =	slt.u32 s8, $0xFFFFF086  }
0x1c: {  	p1 =	slt.u32 s9, $0xF7A;
	s5 =	simm.s32 @!p2 $0x0  }
0x1d: {  	s5 =	simm.s32 @p1 $0x1;
	p0 =	seq.s32 s7, s2  }
0x1e: {  	s7 =	smul.u32 @!p0 $0xF7A, s2;
	p2 =	seq.s32 @!p0 s5, $0x0  }
0x1f: {  	s9 =	smul.u32 $0xF7A, s1;
	s8 =	simm.s32 @!p0 $0x1BF5;
	p2 =	por !p2, p0  }
0x20: {  	[sflag:s8] =	ssyncset.s32 @!p0 $0xFFFFF086;
	s6 =	sadd.s32 @!p0 s3, s7;
	s7 =	simm.s32 @!p0 $0x108  }
0x21: {  	s3 =	sadd.s32 s3, s9;
	s6 =	sadd.s32 @!p0 $0x88, s6;
	s7 =	simm.s32 @p2 $0x1082  }
0x22: {  	[simem:s7], [sflag:s8] =	dma.local @!p0 [hbm:s6], $0xF7A  }
0x23: {  	s9 =	sor.u32 $0xD0000000, s2;
	s6 =	simm.s32 $0x108;
	_ =	swait.ge @!p0 [sflag:s8], $0x0  }
0x24: {  	s3 =	sadd.s32 $0x88, s3;
	s6 =	simm.s32 @!p1 $0x1082;
	[sflag:s4] =	ssyncset.s32 $0xFFFFF086  }
0x25: {  	[simem:s6], [sflag:s4] =	dma.local [hbm:s3], $0xF7A  }
0x26: {  	[smem:$0x3F98] =	sst s1;
	(tag) =	ssettag s2;
	_ =	strace s9  }
0x27: {  	s1 =	sld [smem:$0x3FA8]  }
0x28: {  	s2 =	sld [smem:$0x3FA9]  }
0x29: {  	s4 =	sld [smem:$0x3FAB]  }
0x2a: {  	p0 =	seq.s32 s5, $0x0;
	s5 =	sld [smem:$0x3FAC]  }
0x2b: {  	s6 =	sld [smem:$0x3FAD]  }
0x2c: {  	s7 =	sld [smem:$0x3FAE]  }
0x2d: {  	s3 =	simm.s32 $0x108;
	s8 =	sld [smem:$0x3FAF]  }
0x2e: {  	s3 =	simm.s32 @!p0 $0x1082;
	s9 =	sld [smem:$0x3FB0]  }
0x2f: {  	lr =	sadd.s32 s0, s3;
	s0 =	sld [smem:$0x3FA7]  }
0x30: {  	s3 =	sld [smem:$0x3FAA]  }
0x31: {  	[smem:$0x3FB3] =	sst s10  }
0x32: {  	s10 =	sld [smem:$0x3FB1];
	_ =	sdelay $0x3  }
0x33: {  	p0 =	seq.s32 s10, $0x1;
	s10 =	sld [smem:$0x3FB3];
	_ =	sdelay $0x3  }
0x34: {  	[smem:$0x3FB3] =	sst s10  }
0x35: {  	s10 =	sld [smem:$0x3FB2];
	_ =	sdelay $0x3  }
0x36: {  	p1 =	seq.s32 s10, $0x1;
	s10 =	sld [smem:$0x3FB3];
	_ =	sdelay $0x3  }
0x37: {  	[smem:$0x3FB3] =	sst s10  }
0x38: {  	s10 =	sld [smem:$0x3FB4]  }
0x39: {  	_ = 	snop;
	(pc) =	sbr.ind lr, $3  }
0x3a: {  	_ = 	snop  }
0x3b: {  	_ = 	snop  }
0x3c: {  	p2 =	seq.s32 s10, $0x1;
	s10 =	sld [smem:$0x3FB3]  }
0x3d: {  	_ =	shalt  }
0x3e: {  	_ =	shalt  }
0x3f: {  	_ =	shalt  }
0x40: {  	_ =	shalt  }
0x41: {  	_ =	shalt  }
0x42: {  	_ =	shalt  }
0x43: {  	_ =	shalt  }
0x44: {  	_ =	shalt  }
0x45: {  	_ =	shalt  }
0x46: {  	_ =	shalt  }
0x47: {  	_ =	shalt  }
0x48: {  	_ =	shalt  }
0x49: {  	_ =	shalt  }
0x4a: {  	_ =	shalt  }
0x4b: {  	_ =	shalt  }
0x4c: {  	_ =	shalt  }
0x4d: {  	_ =	shalt  }
0x4e: {  	_ =	shalt  }
0x4f: {  	_ =	shalt  }
0x50: {  	_ =	shalt  }
0x51: {  	_ =	shalt  }
0x52: {  	_ =	shalt  }
0x53: {  	_ =	shalt  }
0x54: {  	_ =	shalt  }
0x55: {  	_ =	shalt  }
0x56: {  	_ =	shalt  }
0x57: {  	_ =	shalt  }
0x58: {  	_ =	shalt  }
0x59: {  	_ =	shalt  }
0x5a: {  	_ =	shalt  }
0x5b: {  	_ =	shalt  }
0x5c: {  	_ =	shalt  }
0x5d: {  	_ =	shalt  }
0x5e: {  	_ =	shalt  }
0x5f: {  	_ =	shalt  }
0x60: {  	_ =	shalt  }
0x61: {  	_ =	shalt  }
0x62: {  	_ =	shalt  }
0x63: {  	_ =	shalt  }
0x64: {  	_ =	shalt  }
0x65: {  	_ =	shalt  }
0x66: {  	_ =	shalt  }
0x67: {  	_ =	shalt  }
0x68: {  	_ =	shalt  }
0x69: {  	_ =	shalt  }
0x6a: {  	_ =	shalt  }
0x6b: {  	_ =	shalt  }
0x6c: {  	_ =	shalt  }
0x6d: {  	_ =	shalt  }
0x6e: {  	_ =	shalt  }
0x6f: {  	_ =	shalt  }
0x70: {  	_ =	shalt  }
0x71: {  	_ =	shalt  }
0x72: {  	_ =	shalt  }
0x73: {  	_ =	shalt  }
0x74: {  	_ =	shalt  }
0x75: {  	_ =	shalt  }
0x76: {  	_ =	shalt  }
0x77: {  	_ =	shalt  }
0x78: {  	_ =	shalt  }
0x79: {  	_ =	shalt  }
0x7a: {  	_ =	shalt  }
0x7b: {  	_ =	shalt  }
0x7c: {  	_ =	shalt  }
0x7d: {  	_ =	shalt  }
0x7e: {  	_ =	shalt  }
0x7f: {  	_ =	shalt  }
0x80: {  	_ =	shalt  }
0x81: {  	_ =	shalt  }
0x82: {  	_ =	shalt  }
0x83: {  	_ =	shalt  }
0x84: {  	_ =	shalt  }
0x85: {  	_ =	shalt  }
0x86: {  	_ =	shalt  }
0x87: {  	_ =	shalt  }
.Lfunc_end0:
.L_simem_size_0:
called_computation_lowered:
.L_overlay_start_0:
0x88: {  	s2 =	sld [smem:$0x3FD9]  }
0x89: {  	s3 =	sld [smem:$0x3FFE];
	_ =	sdelay $0x1  }
0x8a: {  	s1 =	srdreg.scid  }
0x8b: {  	s0 =	sand.u32 $0x1, s1  }
0x8c: {  	s17 =	sshll.u32 s0, $0xA;
	s2 =	sadd.s32 s3, s2  }
0x8d: {  	s2 =	sadd.s32 s2, s17  }
0x8e: {  	[smem:$0x3FBF] =	sst s2  }
0x8f: {  	_ = 	snop  }
0x90: {  	s2 =	sld [smem:$0x3FC9]  }
0x91: {  	s18 =	sld [smem:$0x3FD0];
	(tm) =	ssettm $0x1  }
0x92: {  	s4 =	sld [smem:$0x3FFB];
	_ =	sdelay $0x3  }
0x93: {  	_ =	strace s4  }
0x94: {  	s4 =	sld [smem:$0x3FFC];
	_ =	sdelay $0x3  }
0x95: {  	_ =	strace s4  }
0x96: {  	s4 =	sld [smem:$0x3FFD];
	_ =	sdelay $0x3  }
0x97: {  	_ =	strace s4  }
0x98: {  	_ =	strace $0x8FFFFFFF  }
0x99: {  	s19 =	sld [smem:$0x3FDB];
	_ =	sdelay $0x1  }
0x9a: {  	s5 =	simm.s32 $_scs_section_size  }
0x9b: {  	s6 =	simm.s32 $_size__tile_overlayer_lowered;
	s7 =	simm.s32 $_tile_overlayer_lowered  }
0x9c: {  	s22 =	simm.s32 $0x1BFF;
	s21 =	sshll.u32 s7, $0x1;
	s4 =	sadd.s32 s5, s19  }
0x9d: {  	s8 =	simm.s32 $0x0;
	s20 =	sshll.u32 s6, $0x1;
	s6 =	sadd.s32 s21, s4  }
0x9e: {  	[timem:s8], [sflag:s22] =	dma.local [hbm:s6], s20  }
0x9f: {  	_ =	swait.ge [sflag:s22], s20  }
0xa0: {  	s5 =	ssub.s32 $0x0, s20;
	[sflag:s22] =	ssyncset.done $0x0  }
0xa1: {  	[sflag:s22] =	ssyncadd.s32 s5;
	_ =	sdelay $0x1  }
0xa2: {  	s23 =	simm.s32 $0x1B8B  }
0xa3: {  	_ =	swait.ge [sflag:s23], $0x1  }
0xa4: {  	[sflag:s23] =	ssyncset.done $0x0  }
0xa5: {  	s25 =	simm.s32 $0x1B8E;
	s24 =	sld [smem:$0x3FFE];
	[sflag:s23] =	ssyncadd.s32 $0xFFFFFFFF  }
0xa6: {  	s26 =	simm.s32 $execute0_lowered;
	[smem:$0x3FD2] =	sst s25  }
0xa7: {  	s6 =	sshll.u32 s26, $0x1;
	_ =	strace $0x80000046;
	[dreg:$0x1] =	wrdreg $0xFFFFFFFF  }
0xa8: {  	s28 =	simm.s32 $_size_execute0_lowered;
	s4 =	sadd.s32 s4, s6;
	[dreg:$0x0] =	wrdreg $0x0  }
0xa9: {  	s6 =	sshll.u32 s28, $0x1;
	[dreg:$0x2] =	wrdreg s4  }
0xaa: {  	[dreg:$0x3] =	wrdreg s6  }
0xab: {  	[dreg:$0x4] =	wrdreg $0xC0  }
0xac: {  	_ =	task [dreg:s8], $0x5FFFF  }
0xad: {  	[dreg:$0x1] =	wrdreg $0xFFFFFFFF  }
0xae: {  	[dreg:$0x0] =	wrdreg $0x60  }
0xaf: {  	[dreg:$0x2] =	wrdreg s2  }
0xb0: {  	[dreg:$0x3] =	wrdreg s24  }
0xb1: {  	[dreg:$0x4] =	wrdreg s18  }
0xb2: {  	[dreg:$0x5] =	wrdreg $0x0  }
0xb3: {  	[dreg:$0x6] =	wrdreg $0x9  }
0xb4: {  	_ =	task.clear_ibuf [dreg:s8], $0x7FFFF;
	_ =	strace $0x90000046  }
0xb5: {  	s29 =	simm.s32 $0x9;
	_ =	strace $0x80000048  }
0xb6: {  	_ =	swait.ge [sflag:s29], $0x1  }
0xb7: {  	[sflag:s29] =	ssyncadd.s32 $0xFFFFFFFF  }
0xb8: {  	_ =	strace $0x90000048  }
0xb9: {  	_ =	sfence  }
0xba: {  	s30 =	sld [smem:$0x0];
	_ =	sdelay $0x2  }
0xbb: {  	s31 =	sshll.u32 s1, $0xD;
	s1 =	sshrl.u32 s1, $0x2  }
0xbc: {  	s3 =	sand.u32 $0x4000, s31;
	s1 =	sadd.s32 s1, s30  }
0xbd: {  	s0 =	sor.u32 s3, s0;
	s1 =	sshll.u32 s1, $0x11  }
0xbe: {  	s0 =	sor.u32 s1, s0  }
0xbf: {  	s0 =	sadd.s32 $0x8F2B, s0  }
0xc0: {  	[sflag:s0] =	ssyncadd.remote.s32 $0x1  }
0xc1: {  	_ =	sfence.sel $0xFFFF  }
0xc2: {  	[dreg:$0x0] =	wrdreg $0xFFFFFFFF;
	(pc) =	sbr.abs _section_cstart, $3  }
0xc3: {  	[dreg:$0x1] =	wrdreg $0xFFFFFFFF  }
0xc4: {  	_ =	task.clear_ibuf [dreg:s8], $0x2FFFF;
	_ =	strace $0x9FFFFFFF  }
0xc5: {  	(tm) =	ssettm $0x7FFFFFFF  }
tec
execute0_lowered:
.L_overlay_start_1:
0x0: {  	(tag) =	ssettag $0x1  }
0x1: {  	s5 =	rddreg [dreg:$0x0]  }
0x2: {  	s4 =	rddreg [dreg:$0x1]  }
0x3: {  	s11 =	rddreg [dreg:$0x2]  }
0x4: {  	s1 =	rddreg [dreg:$0x3];
	s2 =	simm.s32 $0x0  }
0x5: {  	s3 =	srdreg.scid;
	s0 =	stileid.u32;
	s17 =	simm.s32 $0x2  }
0x6: {  	s18 =	simm.s32 $0x40;
	s19 =	simm.s32 $0x13880;
	s20 =	simm.s32 $0x13A80  }
0x7: {  	s21 =	simm.s32 $0x13900;
	s22 =	simm.s32 $0x15A80;
	s23 =	simm.s32 $0x0  }
0x8: {  	[smem:$0x7FF] =	sst s2;
	s6 =	sand.u32 $0x1, s3;
	s8 =	smul.u32 $0x4F000, s0  }
0x9: {  	s14 =	smul.u32 $0x2780, s0;
	s30 =	sadd.s32 $0x25080, s5;
	s31 =	sshll.u32 s0, $0xA  }
0xa: {  	p0 =	seq.s32 s0, $0xF;
	_ =	strace $0x80000047;
	s12 =	sshll.u32 s6, $0x7  }
0xb: {  	s7 =	ssub.s32 $0x2, s6;
	s9 =	sshll.u32 s6, $0xE;
	s28 =	sshll.u32 s6, $0x4  }
0xc: {  	[dreg:$0x6] =	wrdreg s30;
	s16 =	sshll.u32 @!p0 s0, $0x6;
	s13 =	sadd.s32 s12, s4  }
0xd: {  	s10 =	sshrl.u32 s7, $0x1;
	s9 =	sadd.s32 s9, s4;
	s26 =	sshrl.u32 s8, $0x2  }
0xe: {  	s29 =	sadd.s32 s5, s14;
	s14 =	sadd.s32 $0x128400, s1;
	s11 =	sadd.s32 s12, s11  }
.Ltmp0:
0xf: {  	s7 =	ssub.s32 s7, s10;
	s15 =	sadd.s32 s26, s1;
	(pc) =	sbr.rel .LBB2_1-.Ltmp0, $4  }
0x10: {  	[dreg:$0x5] =	wrdreg s29;
	s9 =	sadd.s32 s31, s9;
	s10 =	sshll.u32 s0, $0x3  }
0x11: {  	s12 =	sadd.s32 $0x2000, s13;
	s13 =	sshrl.u32 @p0 s14, $0x3;
	s14 =	sor.u32 @!p0 $0x1C05, s16  }
0x12: {  	s16 =	simm.s32 $0x1;
	s6 =	smax.u32 s7, $0x1;
	s7 =	sor.u32 s28, s0  }
0x13: {  	s8 =	sadd.s32 $0x4EDE00, s9;
	s9 =	sadd.s32 $0xBE00, s9;
	s15 =	sshrl.u32 @!p0 s15, $0x3  }
.LBB2_5:
0x14: {  	s23 =	sadd.s32 $0x1, s23  }
0x15: {  	p1 =	sne.s32 s23, s6  }
.Ltmp1:
0x16: {  	_ = 	snop;
	(pc) =	sbr.rel @!p1 .LBB2_6-.Ltmp1, $1  }
0x17: {  	_ =	sdelay $0x3  }
.LBB2_1:
0x18: {  	s24 =	simm.s32 @p0 $0x1FC5;
	s0 =	rddreg [dreg:$0x6]  }
0x19: {  	[spmem:s13], [sflag:s24] =	dma.local @p0 [hbm:s0], $0x2080  }
0x1a: {  	s24 =	simm.s32 @p0 $0x5  }
0x1b: {  	_ =	swait.ge @p0 [sflag:s24], $0x2080  }
0x1c: {  	[sflag:s24] =	ssyncset.done @p0 $0x0  }
0x1d: {  	s0 =	rddreg [dreg:$0x5];
	[sflag:s24] =	ssyncadd.s32 @p0 $0xFFFFDF80;
	s24 =	simm.s32 @!p0 $0x5  }
0x1e: {  	[spmem:s15], [sflag:s14] =	dma.local @!p0 [hbm:s0], $0x2780  }
.Ltmp2:
0x1f: {  	_ =	swait.ge @!p0 [sflag:s24], $0x2780;
	(pc) =	sbr.rel .LBB2_2-.Ltmp2, $4  }
0x20: {  	[sflag:s24] =	ssyncset.done @!p0 $0x0  }
0x21: {  	[sflag:s24] =	ssyncadd.s32 @!p0 $0xFFFFD880  }
0x22: {  	s25 =	smov.u32 s11;
	[bflag:$0x0] =	sbarrier.arrive $0xFFFF  }
0x23: {  	s26 =	smov.u32 s7;
	s28 =	simm.s32 $0x0;
	s24 =	smov.u32 s12  }
.LBB2_4:
0x24: {  	s28 =	sadd.s32 $0x10000, s28  }
0x25: {  	p1 =	sne.s32 s28, $0x4F0000  }
.Ltmp3:
0x26: {  	_ = 	snop;
	(pc) =	sbr.rel @!p1 .LBB2_5-.Ltmp3, $2  }
0x27: {  	_ =	sdelay $0x2  }
0x28: {  	s26 =	sadd.s32 $0x40, s26;
	s25 =	sadd.s32 $0x200, s25;
	s24 =	sadd.s32 $0x200, s24  }
.LBB2_2:
0x29: {  	p2 =	sgt.u32 s26, $0x1387  }
0x2a: {  	s29 =	sadd.s32 @!p2 s24, s10;
	s30 =	simm.s32 @!p2 $0x0;
	s31 =	simm.s32 @!p2 $0x13880  }
0x2b: {  	[tilespmem:s31], [sflag:$0x1] =	stream.linear.gather @!p2 [hbm4b:s29+s30], $0x40, $0x38;
	[tilespmem:$0x1BA80] =	vst v63  }
0x2c: {  	s29 =	sadd.s32 @!p2 s25, s10;
	s31 =	simm.s32 @!p2 $0x13900  }
0x2d: {  	[tilespmem:s31], [sflag:$0x2] =	stream.linear.gather @!p2 [hbm4b:s29+s30], $0x40, $0x38;
	[tilespmem:$0x1BA80] =	vst v63  }
0x2e: {  	s29 =	sadd.s32 $0x20, s26  }
0x2f: {  	p1 =	sgt.u32 s29, $0x1387  }
0x30: {  	s29 =	sadd.s32 @!p1 s24, s10;
	s30 =	simm.s32 @!p1 $0x13980  }
.Ltmp4:
0x31: {  	s31 =	sadd.s32 @!p1 $0x100, s29;
	s29 =	simm.s32 @!p1 $0x0;
	(pc) =	sbr.rel @p2 .LBB2_4-.Ltmp4, $4  }
0x32: {  	[tilespmem:s30], [sflag:$0x3] =	stream.linear.gather @!p1 [hbm4b:s31+s29], $0x40, $0x38;
	[tilespmem:$0x1BA80] =	vst v63  }
0x33: {  	s31 =	sadd.s32 @!p1 s25, s10  }
0x34: {  	s0 =	sadd.s32 @!p1 $0x100, s31;
	s31 =	simm.s32 @!p1 $0x13A00  }
0x35: {  	[tilespmem:s31], [sflag:$0x4] =	stream.linear.gather @!p1 [hbm4b:s0+s29], $0x40, $0x38;
	[tilespmem:$0x1BA80] =	vst v63  }
0x36: {  	_ =	swait.ge [sflag:s16], $0x40  }
0x37: {  	[sflag:s16] =	ssyncset.done $0x0  }
0x38: {  	[sflag:s16] =	ssyncadd.s32 $0xFFFFFFC0  }
0x39: {  	_ =	swait.ge [sflag:s17], $0x40  }
0x3a: {  	[sflag:s17] =	ssyncset.done $0x0  }
0x3b: {  	[sflag:s17] =	ssyncadd.s32 $0xFFFFFFC0  }
0x3c: {  	[tilespmem:s20], [sflag:$0x1] =	stream.indirect.gather [spmem:s1], $0x80, s19, s18, $0xb8;
	[tilespmem:$0x1BA80] =	vst v63  }
0x3d: {  	s0 =	simm.s32 @!p1 $0x3  }
0x3e: {  	[tilespmem:s22], [sflag:$0x2] =	stream.indirect.gather [spmem:s1], $0x80, s21, s18, $0xb8;
	[tilespmem:$0x1BA80] =	vst v63  }
0x3f: {  	_ =	swait.ge @!p1 [sflag:s0], $0x40  }
0x40: {  	[sflag:s0] =	ssyncset.done @!p1 $0x0  }
0x41: {  	s3 =	simm.s32 @!p1 $0x4;
	[sflag:s0] =	ssyncadd.s32 @!p1 $0xFFFFFFC0  }
0x42: {  	_ =	swait.ge @!p1 [sflag:s3], $0x40  }
0x43: {  	[sflag:s3] =	ssyncset.done @!p1 $0x0  }
0x44: {  	s4 =	simm.s32 @!p1 $0x40;
	s5 =	simm.s32 @!p1 $0x17A80;
	[sflag:s3] =	ssyncadd.s32 @!p1 $0xFFFFFFC0  }
0x45: {  	[tilespmem:s5], [sflag:$0x3] =	stream.indirect.gather @!p1 [spmem:s1], $0x80, s30, s4, $0xb8;
	[tilespmem:$0x1BA80] =	vst v63  }
0x46: {  	s30 =	simm.s32 @!p1 $0x19A80  }
0x47: {  	[tilespmem:s30], [sflag:$0x4] =	stream.indirect.gather @!p1 [spmem:s1], $0x80, s31, s4, $0xb8;
	[tilespmem:$0x1BA80] =	vst v63  }
0x48: {  	_ =	swait.ge [sflag:s16], $0x2000  }
0x49: {  	[sflag:s16] =	ssyncset.done $0x0  }
0x4a: {  	[sflag:s16] =	ssyncadd.s32 $0xFFFFE000  }
0x4b: {  	_ =	swait.ge [sflag:s17], $0x2000  }
0x4c: {  	[sflag:s17] =	ssyncset.done $0x0  }
0x4d: {  	s31 =	sadd.s32 s28, s9;
	[sflag:s17] =	ssyncadd.s32 $0xFFFFE000  }
0x4e: {  	[hbm4b:s31+s2] =	stream.linear.scatter [tilespmem:s20], [sflag:$0x1], $0x2000, $0x38;
	[tilespmem:$0x1BA80] =	vst v63  }
0x4f: {  	s31 =	sadd.s32 s28, s8  }
0x50: {  	[hbm4b:s31+s2] =	stream.linear.scatter [tilespmem:s22], [sflag:$0x2], $0x2000, $0x38;
	[tilespmem:$0x1BA80] =	vst v63  }
0x51: {  	_ =	swait.ge @!p1 [sflag:s0], $0x2000  }
0x52: {  	[sflag:s0] =	ssyncset.done @!p1 $0x0  }
0x53: {  	[sflag:s0] =	ssyncadd.s32 @!p1 $0xFFFFE000  }
0x54: {  	_ =	swait.ge @!p1 [sflag:s3], $0x2000  }
0x55: {  	s4 =	sadd.s32 @!p1 s28, s9;
	[sflag:s3] =	ssyncset.done @!p1 $0x0  }
0x56: {  	s4 =	sadd.s32 @!p1 $0x8000, s4;
	[sflag:s3] =	ssyncadd.s32 @!p1 $0xFFFFE000  }
0x57: {  	[hbm4b:s4+s29] =	stream.linear.scatter @!p1 [tilespmem:s5], [sflag:$0x3], $0x2000, $0x38;
	[tilespmem:$0x1BA80] =	vst v63  }
0x58: {  	s4 =	sadd.s32 @!p1 s28, s8  }
0x59: {  	s4 =	sadd.s32 @!p1 $0x8000, s4  }
0x5a: {  	[hbm4b:s4+s29] =	stream.linear.scatter @!p1 [tilespmem:s30], [sflag:$0x4], $0x2000, $0x38;
	[tilespmem:$0x1BA80] =	vst v63  }
0x5b: {  	s4 =	simm.s32 @!p1 $0x1  }
0x5c: {  	_ =	swait.ge @!p1 [sflag:s4], $0x2000  }
0x5d: {  	[sflag:s4] =	ssyncset.done @!p1 $0x0  }
0x5e: {  	[sflag:s4] =	ssyncadd.s32 @!p1 $0xFFFFE000;
	s4 =	simm.s32 @!p1 $0x2  }
0x5f: {  	_ =	swait.ge @!p1 [sflag:s4], $0x2000  }
0x60: {  	[sflag:s4] =	ssyncset.done @!p1 $0x0  }
0x61: {  	s0 =	simm.s32 @p1 $0x1;
	[sflag:s4] =	ssyncadd.s32 @!p1 $0xFFFFE000  }
0x62: {  	_ =	swait.ge [sflag:s0], $0x2000  }
.Ltmp5:
0x63: {  	[sflag:s0] =	ssyncset.done $0x0;
	(pc) =	sbr.rel .LBB2_4-.Ltmp5, $4  }
0x64: {  	s3 =	simm.s32 @p1 $0x2;
	[sflag:s0] =	ssyncadd.s32 $0xFFFFE000  }
0x65: {  	_ =	swait.ge [sflag:s3], $0x2000  }
0x66: {  	[sflag:s3] =	ssyncset.done $0x0  }
0x67: {  	[sflag:s3] =	ssyncadd.s32 $0xFFFFE000  }
.LBB2_6:
0x68: {  	_ =	sfence.sel $0x180000  }
0x69: {  	[bflag:$0x0] =	sbarrier.arrive $0xFFFF  }
0x6a: {  	_ =	strace $0x90000047  }
0x6b: {  	s0 =	stileid.u32;
	[bflag:$0x2] =	sbarrier.arrive $0xFFFF  }
0x6c: {  	p0 =	sne.s32 s0, $0x0;
	s0 =	rddreg [dreg:$0x4]  }
0x6d: {  	s0 =	sadd.s32 @!p0 $0x100000, s0  }
0x6e: {  	[sflag:s0] =	ssyncadd.tile.s32 @!p0 $0x1;
	_ =	shalt  }
.Lfunc_end2:
_tile_overlayer_lowered:
.L_overlay_start_2:
0x6f: {  	(tag) =	ssettag $0x2  }
0x70: {  	s0 =	rddreg [dreg:$0x0];
	s2 =	stileid.u32  }
0x71: {  	s1 =	rddreg [dreg:$0x1];
	p0 =	sne.s32 s2, $0x0  }
0x72: {  	s3 =	rddreg [dreg:$0x2];
	[bflag:$0x3] =	sbarrier.arrive $0xFFFF;
	s2 =	simm.s32 @!p0 $0x1C05  }
0x73: {  	[timem:s3], [sflag:s2] =	dma.local @!p0 [hbm:s0], s1  }
0x74: {  	s0 =	simm.s32 @!p0 $0x5  }
0x75: {  	_ =	swait.ge @!p0 [sflag:s0], s1  }
0x76: {  	s1 =	ssub.s32 @!p0 $0x0, s1;
	[sflag:s0] =	ssyncset.done @!p0 $0x0  }
0x77: {  	[sflag:s0] =	ssyncadd.s32 @!p0 s1  }
0x78: {  	[bflag:$0x3] =	sbarrier.arrive $0xFFFF  }
0x79: {  	_ =	shalt  }

// kernel: kernel.9.cloned.1.call-start
scs
__scs_entry_jumppad:
0x0: {  	(pc) =	sbr.rel $0x88, $3  }
0x1: {  	(tag) =	ssettag $0x0;
	lr =	simm.s32 $0x1  }
0x2: {  	[smem:$0x3F98] =	sst lr;
	_ =	strace $0xD0000000  }
0x3: {  	_ = 	snop  }
0x4: {  	_ = 	snop  }
0x5: {  	_ = 	snop  }
0x6: {  	_ = 	snop  }
0x7: {  	_ = 	snop  }
__scs_overlays_trampoline_lowered:
0x8: {  	[smem:$0x3FA7] =	sst s0  }
0x9: {  	[smem:$0x3FA8] =	sst s1  }
0xa: {  	[smem:$0x3FA9] =	sst s2  }
0xb: {  	[smem:$0x3FAA] =	sst s3  }
0xc: {  	[smem:$0x3FAB] =	sst s4  }
0xd: {  	[smem:$0x3FAC] =	sst s5  }
0xe: {  	[smem:$0x3FAD] =	sst s6  }
0xf: {  	[smem:$0x3FAE] =	sst s7  }
0x10: {  	[smem:$0x3FAF] =	sst s8  }
0x11: {  	[smem:$0x3FB0] =	sst s9;
	s0 =	simm.s32 @!p0 $0x0  }
0x12: {  	s1 =	sld [smem:$0x3F96];
	s0 =	simm.s32 @p0 $0x1  }
0x13: {  	[smem:$0x3FB1] =	sst s0;
	s0 =	simm.s32 @!p1 $0x0  }
0x14: {  	s2 =	sld [smem:$0x3F95];
	s0 =	simm.s32 @p1 $0x1  }
0x15: {  	[smem:$0x3FB2] =	sst s0;
	s0 =	simm.s32 @!p2 $0x0  }
0x16: {  	s3 =	sld [smem:$0x3FDB];
	s0 =	simm.s32 @p2 $0x1  }
0x17: {  	s4 =	simm.s32 $0x1BF5;
	[smem:$0x3FB4] =	sst s0  }
0x18: {  	s0 =	sld [smem:$0x3F97];
	_ =	swait.ge [sflag:s4], $0x0  }
0x19: {  	s7 =	sld [smem:$0x3F98]  }
0x1a: {  	s8 =	sadd.s32 $0xFFFFE003, lr  }
0x1b: {  	s9 =	sadd.s32 $0xFFFFFEF7, lr;
	s5 =	simm.s32 $0xFFFFFFFF;
	p2 =	slt.u32 s8, $0xFFFFF086  }
0x1c: {  	p1 =	slt.u32 s9, $0xF7A;
	s5 =	simm.s32 @!p2 $0x0  }
0x1d: {  	s5 =	simm.s32 @p1 $0x1;
	p0 =	seq.s32 s7, s2  }
0x1e: {  	s7 =	smul.u32 @!p0 $0xF7A, s2;
	p2 =	seq.s32 @!p0 s5, $0x0  }
0x1f: {  	s9 =	smul.u32 $0xF7A, s1;
	s8 =	simm.s32 @!p0 $0x1BF5;
	p2 =	por !p2, p0  }
0x20: {  	[sflag:s8] =	ssyncset.s32 @!p0 $0xFFFFF086;
	s6 =	sadd.s32 @!p0 s3, s7;
	s7 =	simm.s32 @!p0 $0x108  }
0x21: {  	s3 =	sadd.s32 s3, s9;
	s6 =	sadd.s32 @!p0 $0x88, s6;
	s7 =	simm.s32 @p2 $0x1082  }
0x22: {  	[simem:s7], [sflag:s8] =	dma.local @!p0 [hbm:s6], $0xF7A  }
0x23: {  	s9 =	sor.u32 $0xD0000000, s2;
	s6 =	simm.s32 $0x108;
	_ =	swait.ge @!p0 [sflag:s8], $0x0  }
0x24: {  	s3 =	sadd.s32 $0x88, s3;
	s6 =	simm.s32 @!p1 $0x1082;
	[sflag:s4] =	ssyncset.s32 $0xFFFFF086  }
0x25: {  	[simem:s6], [sflag:s4] =	dma.local [hbm:s3], $0xF7A  }
0x26: {  	[smem:$0x3F98] =	sst s1;
	(tag) =	ssettag s2;
	_ =	strace s9  }
0x27: {  	s1 =	sld [smem:$0x3FA8]  }
0x28: {  	s2 =	sld [smem:$0x3FA9]  }
0x29: {  	s4 =	sld [smem:$0x3FAB]  }
0x2a: {  	p0 =	seq.s32 s5, $0x0;
	s5 =	sld [smem:$0x3FAC]  }
0x2b: {  	s6 =	sld [smem:$0x3FAD]  }
0x2c: {  	s7 =	sld [smem:$0x3FAE]  }
0x2d: {  	s3 =	simm.s32 $0x108;
	s8 =	sld [smem:$0x3FAF]  }
0x2e: {  	s3 =	simm.s32 @!p0 $0x1082;
	s9 =	sld [smem:$0x3FB0]  }
0x2f: {  	lr =	sadd.s32 s0, s3;
	s0 =	sld [smem:$0x3FA7]  }
0x30: {  	s3 =	sld [smem:$0x3FAA]  }
0x31: {  	[smem:$0x3FB3] =	sst s10  }
0x32: {  	s10 =	sld [smem:$0x3FB1];
	_ =	sdelay $0x3  }
0x33: {  	p0 =	seq.s32 s10, $0x1;
	s10 =	sld [smem:$0x3FB3];
	_ =	sdelay $0x3  }
0x34: {  	[smem:$0x3FB3] =	sst s10  }
0x35: {  	s10 =	sld [smem:$0x3FB2];
	_ =	sdelay $0x3  }
0x36: {  	p1 =	seq.s32 s10, $0x1;
	s10 =	sld [smem:$0x3FB3];
	_ =	sdelay $0x3  }
0x37: {  	[smem:$0x3FB3] =	sst s10  }
0x38: {  	s10 =	sld [smem:$0x3FB4]  }
0x39: {  	_ = 	snop;
	(pc) =	sbr.ind lr, $3  }
0x3a: {  	_ = 	snop  }
0x3b: {  	_ = 	snop  }
0x3c: {  	p2 =	seq.s32 s10, $0x1;
	s10 =	sld [smem:$0x3FB3]  }
0x3d: {  	_ =	shalt  }
0x3e: {  	_ =	shalt  }
0x3f: {  	_ =	shalt  }
0x40: {  	_ =	shalt  }
0x41: {  	_ =	shalt  }
0x42: {  	_ =	shalt  }
0x43: {  	_ =	shalt  }
0x44: {  	_ =	shalt  }
0x45: {  	_ =	shalt  }
0x46: {  	_ =	shalt  }
0x47: {  	_ =	shalt  }
0x48: {  	_ =	shalt  }
0x49: {  	_ =	shalt  }
0x4a: {  	_ =	shalt  }
0x4b: {  	_ =	shalt  }
0x4c: {  	_ =	shalt  }
0x4d: {  	_ =	shalt  }
0x4e: {  	_ =	shalt  }
0x4f: {  	_ =	shalt  }
0x50: {  	_ =	shalt  }
0x51: {  	_ =	shalt  }
0x52: {  	_ =	shalt  }
0x53: {  	_ =	shalt  }
0x54: {  	_ =	shalt  }
0x55: {  	_ =	shalt  }
0x56: {  	_ =	shalt  }
0x57: {  	_ =	shalt  }
0x58: {  	_ =	shalt  }
0x59: {  	_ =	shalt  }
0x5a: {  	_ =	shalt  }
0x5b: {  	_ =	shalt  }
0x5c: {  	_ =	shalt  }
0x5d: {  	_ =	shalt  }
0x5e: {  	_ =	shalt  }
0x5f: {  	_ =	shalt  }
0x60: {  	_ =	shalt  }
0x61: {  	_ =	shalt  }
0x62: {  	_ =	shalt  }
0x63: {  	_ =	shalt  }
0x64: {  	_ =	shalt  }
0x65: {  	_ =	shalt  }
0x66: {  	_ =	shalt  }
0x67: {  	_ =	shalt  }
0x68: {  	_ =	shalt  }
0x69: {  	_ =	shalt  }
0x6a: {  	_ =	shalt  }
0x6b: {  	_ =	shalt  }
0x6c: {  	_ =	shalt  }
0x6d: {  	_ =	shalt  }
0x6e: {  	_ =	shalt  }
0x6f: {  	_ =	shalt  }
0x70: {  	_ =	shalt  }
0x71: {  	_ =	shalt  }
0x72: {  	_ =	shalt  }
0x73: {  	_ =	shalt  }
0x74: {  	_ =	shalt  }
0x75: {  	_ =	shalt  }
0x76: {  	_ =	shalt  }
0x77: {  	_ =	shalt  }
0x78: {  	_ =	shalt  }
0x79: {  	_ =	shalt  }
0x7a: {  	_ =	shalt  }
0x7b: {  	_ =	shalt  }
0x7c: {  	_ =	shalt  }
0x7d: {  	_ =	shalt  }
0x7e: {  	_ =	shalt  }
0x7f: {  	_ =	shalt  }
0x80: {  	_ =	shalt  }
0x81: {  	_ =	shalt  }
0x82: {  	_ =	shalt  }
0x83: {  	_ =	shalt  }
0x84: {  	_ =	shalt  }
0x85: {  	_ =	shalt  }
0x86: {  	_ =	shalt  }
0x87: {  	_ =	shalt  }
.Lfunc_end0:
.L_simem_size_0:
called_computation.1_lowered:
.L_overlay_start_0:
0x88: {  	s2 =	sld [smem:$0x3FD9]  }
0x89: {  	s3 =	sld [smem:$0x3FFE];
	_ =	sdelay $0x1  }
0x8a: {  	s1 =	srdreg.scid  }
0x8b: {  	s0 =	sand.u32 $0x1, s1  }
0x8c: {  	s17 =	sshll.u32 s0, $0xA;
	s2 =	sadd.s32 s3, s2  }
0x8d: {  	s2 =	sadd.s32 s2, s17  }
0x8e: {  	[smem:$0x3FBF] =	sst s2  }
0x8f: {  	_ = 	snop  }
0x90: {  	s2 =	sld [smem:$0x3FD0];
	(tm) =	ssettm $0x1  }
0x91: {  	s18 =	sld [smem:$0x3FFB];
	_ =	sdelay $0x3  }
0x92: {  	_ =	strace s18  }
0x93: {  	s3 =	sld [smem:$0x3FFC];
	_ =	sdelay $0x3  }
0x94: {  	_ =	strace s3  }
0x95: {  	s3 =	sld [smem:$0x3FFD];
	_ =	sdelay $0x3  }
0x96: {  	_ =	strace s3  }
0x97: {  	_ =	strace $0x8FFFFFFF  }
0x98: {  	s19 =	sld [smem:$0x3FDB];
	_ =	sdelay $0x1  }
0x99: {  	s4 =	simm.s32 $_scs_section_size  }
0x9a: {  	s5 =	simm.s32 $_size__tile_overlayer_lowered;
	s6 =	simm.s32 $_tile_overlayer_lowered  }
0x9b: {  	s22 =	simm.s32 $0x1BFF;
	s21 =	sshll.u32 s6, $0x1;
	s3 =	sadd.s32 s4, s19  }
0x9c: {  	s7 =	simm.s32 $0x0;
	s20 =	sshll.u32 s5, $0x1;
	s5 =	sadd.s32 s21, s3  }
0x9d: {  	[timem:s7], [sflag:s22] =	dma.local [hbm:s5], s20  }
0x9e: {  	_ =	swait.ge [sflag:s22], s20  }
0x9f: {  	s4 =	ssub.s32 $0x0, s20;
	[sflag:s22] =	ssyncset.done $0x0  }
0xa0: {  	[sflag:s22] =	ssyncadd.s32 s4;
	_ =	sdelay $0x1  }
0xa1: {  	s23 =	simm.s32 $0x1B8B  }
0xa2: {  	_ =	swait.ge [sflag:s23], $0x1  }
0xa3: {  	[sflag:s23] =	ssyncset.done $0x0  }
0xa4: {  	s25 =	simm.s32 $0x1B8E;
	s24 =	sld [smem:$0x3FFE];
	[sflag:s23] =	ssyncadd.s32 $0xFFFFFFFF  }
0xa5: {  	s26 =	simm.s32 $execute0_lowered;
	[smem:$0x3FD2] =	sst s25  }
0xa6: {  	s5 =	sshll.u32 s26, $0x1;
	_ =	strace $0x80000049;
	[dreg:$0x1] =	wrdreg $0xFFFFFFFF  }
0xa7: {  	s28 =	simm.s32 $_size_execute0_lowered;
	s3 =	sadd.s32 s3, s5;
	[dreg:$0x0] =	wrdreg $0x0  }
0xa8: {  	s5 =	sshll.u32 s28, $0x1;
	[dreg:$0x2] =	wrdreg s3  }
0xa9: {  	[dreg:$0x3] =	wrdreg s5  }
0xaa: {  	[dreg:$0x4] =	wrdreg $0xC0  }
0xab: {  	_ =	task [dreg:s7], $0x5FFFF  }
0xac: {  	[dreg:$0x1] =	wrdreg $0xFFFFFFFF  }
0xad: {  	[dreg:$0x0] =	wrdreg $0x60  }
0xae: {  	[dreg:$0x2] =	wrdreg s24  }
0xaf: {  	[dreg:$0x3] =	wrdreg s2  }
0xb0: {  	[dreg:$0x4] =	wrdreg $0x0  }
0xb1: {  	[dreg:$0x5] =	wrdreg $0x9  }
0xb2: {  	_ =	task.clear_ibuf [dreg:s7], $0x6FFFF;
	_ =	strace $0x90000049  }
0xb3: {  	s29 =	simm.s32 $0x9;
	_ =	strace $0x8000004B  }
0xb4: {  	_ =	swait.ge [sflag:s29], $0x1  }
0xb5: {  	[sflag:s29] =	ssyncadd.s32 $0xFFFFFFFF  }
0xb6: {  	_ =	strace $0x9000004B  }
0xb7: {  	_ =	sfence  }
0xb8: {  	s30 =	sld [smem:$0x0];
	_ =	sdelay $0x2  }
0xb9: {  	s31 =	sshll.u32 s1, $0xD;
	s1 =	sshrl.u32 s1, $0x2  }
0xba: {  	s3 =	sand.u32 $0x4000, s31;
	s1 =	sadd.s32 s1, s30  }
0xbb: {  	s0 =	sor.u32 s3, s0;
	s1 =	sshll.u32 s1, $0x11  }
0xbc: {  	s0 =	sor.u32 s1, s0  }
0xbd: {  	s0 =	sadd.s32 $0x8F2B, s0  }
0xbe: {  	[sflag:s0] =	ssyncadd.remote.s32 $0x1  }
0xbf: {  	_ =	sfence.sel $0xFFFF  }
0xc0: {  	[dreg:$0x0] =	wrdreg $0xFFFFFFFF;
	(pc) =	sbr.abs _section_cstart, $3  }
0xc1: {  	[dreg:$0x1] =	wrdreg $0xFFFFFFFF  }
0xc2: {  	_ =	task.clear_ibuf [dreg:s7], $0x2FFFF;
	_ =	strace $0x9FFFFFFF  }
0xc3: {  	(tm) =	ssettm $0x7FFFFFFF  }
tec
execute0_lowered:
.L_overlay_start_1:
0x0: {  	(tag) =	ssettag $0x1  }
0x1: {  	s0 =	rddreg [dreg:$0x0];
	s11 =	stileid.u32  }
0x2: {  	s3 =	srdreg.scid;
	s6 =	smul.u32 $0x13C00, s11  }
0x3: {  	s2 =	rddreg [dreg:$0x1];
	s4 =	sand.u32 $0x1, s3;
	s10 =	smul.u32 $0x4F000, s11  }
0x4: {  	s1 =	rddreg [dreg:$0x2];
	s15 =	simm.s32 $0x7;
	s5 =	smul.u32 $0x271000, s4  }
0x5: {  	s3 =	simm.s32 $0x0;
	s28 =	sshll.u32 s11, $0x6;
	s7 =	smul.u32 $0x4E20, s4  }
0x6: {  	s29 =	sshll.u32 s11, $0xA;
	[smem:$0x7FF] =	sst s3;
	s24 =	smul.u32 $0x13C000, s4  }
0x7: {  	s4 =	ssub.s32 $0x2, s4;
	_ =	strace $0x8000004A;
	s9 =	sshrl.u32 s6, $0x3  }
0x8: {  	s25 =	sshrl.u32 s4, $0x1;
	s10 =	sshrl.u32 s10, $0x2;
	s8 =	sadd.s32 s5, s0  }
0x9: {  	s13 =	sadd.s32 s7, s0;
	s9 =	sadd.s32 s9, s0;
	s5 =	sadd.s32 s6, s24  }
0xa: {  	s4 =	ssub.s32 s4, s25;
	s14 =	sadd.s32 s10, s1;
	s6 =	ssub.s32 $0x9C4, s11  }
0xb: {  	s11 =	sshll.u32 s11, $0x3;
	s12 =	sadd.s32 s7, s2;
	s26 =	sadd.s32 $0xBE00, s9  }
0xc: {  	s5 =	sshrl.u32 s5, $0x3;
	s31 =	smax.u32 s4, $0x1;
	[dreg:$0x4] =	wrdreg s26  }
0xd: {  	s30 =	sadd.s32 s29, s8;
	s2 =	sshrl.u32 s14, $0x3;
	[dreg:$0x7] =	wrdreg s31  }
0xe: {  	s0 =	sadd.s32 s5, s0;
	s5 =	sor.u32 $0x1C07, s28;
	[dreg:$0x8] =	wrdreg s2  }
0xf: {  	s13 =	sadd.s32 $0x2000, s13;
	s0 =	sadd.s32 $0x33600, s0;
	[dreg:$0x5] =	wrdreg s5  }
0x10: {  	s9 =	sadd.s32 $0x1393E00, s30;
	s10 =	sadd.s32 $0xEB1E00, s30;
	[dreg:$0x6] =	wrdreg s0  }
.LBB2_1:
0x11: {  	s0 =	rddreg [dreg:$0x4]  }
0x12: {  	[spmem:s2], [sflag:s5] =	dma.local [hbm:s0], $0x2780  }
0x13: {  	_ =	swait.ge [sflag:s15], $0x2780  }
0x14: {  	p2 =	sle.u32 s6, $0x0;
	p0 =	sle.u32 s6, $0x10;
	[sflag:s15] =	ssyncset.done $0x0  }
0x15: {  	p1 =	sle.u32 s6, $0x20;
	s0 =	sadd.s32 @!p2 s13, s11;
	[sflag:s15] =	ssyncadd.s32 $0xFFFFD880  }
0x16: {  	s2 =	simm.s32 @!p2 $0x0;
	s4 =	simm.s32 @!p2 $0x13C00;
	[bflag:$0x0] =	sbarrier.arrive $0xFFFF  }
0x17: {  	[tilespmem:s4], [sflag:$0x1] =	stream.linear.gather @!p2 [hbm4b:s0+s2], $0x40, $0x38;
	[tilespmem:$0x1FF00] =	vst v63  }
0x18: {  	s7 =	sadd.s32 @!p2 $0x0, s10;
	s17 =	simm.s32 @!p2 $0x13C80;
	s0 =	sadd.s32 @!p2 s12, s11  }
0x19: {  	[tilespmem:s17], [sflag:$0x1] =	stream.linear.gather @!p2 [hbm4b:s0+s2], $0x40, $0x38;
	[tilespmem:$0x1FF00] =	vst v63  }
0x1a: {  	s16 =	simm.s32 @!p2 $0x15F00;
	s19 =	sadd.s32 @!p0 s13, s11;
	s0 =	simm.s32 @!p2 $0x13F00  }
0x1b: {  	[tilespmem:s0], [sflag:$0x1] =	stream.linear.gather @!p2 [hbm4b:s7+s2], $0x2000, $0x38;
	[tilespmem:$0x1FF00] =	vst v63  }
0x1c: {  	s18 =	sadd.s32 @!p2 $0x0, s9;
	s20 =	sadd.s32 @!p0 $0x0, s10;
	s19 =	sadd.s32 @!p0 $0x80, s19  }
0x1d: {  	[tilespmem:s16], [sflag:$0x1] =	stream.linear.gather @!p2 [hbm4b:s18+s2], $0x2000, $0x38;
	[tilespmem:$0x1FF00] =	vst v63  }
0x1e: {  	s7 =	sadd.s32 @!p0 s12, s11;
	s2 =	simm.s32 @!p0 $0x0;
	s18 =	simm.s32 @!p0 $0x13D00  }
0x1f: {  	[tilespmem:s18], [sflag:$0x2] =	stream.linear.gather @!p0 [hbm4b:s19+s2], $0x40, $0x38;
	[tilespmem:$0x1FF00] =	vst v63  }
0x20: {  	s21 =	sadd.s32 @!p0 $0x0, s9;
	s7 =	sadd.s32 @!p0 $0x80, s7;
	s19 =	simm.s32 @!p0 $0x13D80  }
0x21: {  	[tilespmem:s19], [sflag:$0x2] =	stream.linear.gather @!p0 [hbm4b:s7+s2], $0x40, $0x38;
	[tilespmem:$0x1FF00] =	vst v63  }
0x22: {  	s22 =	sadd.s32 @!p1 s13, s11;
	s20 =	sadd.s32 @!p0 $0x4000, s20;
	s7 =	simm.s32 @!p0 $0x17F00  }
0x23: {  	[tilespmem:s7], [sflag:$0x2] =	stream.linear.gather @!p0 [hbm4b:s20+s2], $0x2000, $0x38;
	[tilespmem:$0x1FF00] =	vst v63  }
0x24: {  	s23 =	sadd.s32 @!p1 s12, s11;
	s21 =	sadd.s32 @!p0 $0x4000, s21;
	s20 =	simm.s32 @!p0 $0x19F00  }
0x25: {  	[tilespmem:s20], [sflag:$0x2] =	stream.linear.gather @!p0 [hbm4b:s21+s2], $0x2000, $0x38;
	[tilespmem:$0x1FF00] =	vst v63  }
0x26: {  	s2 =	sadd.s32 @!p1 $0x100, s22;
	s21 =	simm.s32 @!p1 $0x0;
	s22 =	simm.s32 @!p1 $0x13E00  }
0x27: {  	[tilespmem:s22], [sflag:$0x3] =	stream.linear.gather @!p1 [hbm4b:s2+s21], $0x40, $0x38;
	[tilespmem:$0x1FF00] =	vst v63  }
0x28: {  	s24 =	simm.s32 @!p1 $0x13E80;
	s23 =	sadd.s32 @!p1 $0x100, s23;
	s2 =	sadd.s32 @!p1 $0x0, s10  }
0x29: {  	[tilespmem:s24], [sflag:$0x3] =	stream.linear.gather @!p1 [hbm4b:s23+s21], $0x40, $0x38;
	[tilespmem:$0x1FF00] =	vst v63  }
0x2a: {  	s25 =	simm.s32 @!p1 $0x1BF00;
	s2 =	sadd.s32 @!p1 $0x8000, s2;
	s23 =	sadd.s32 @!p1 $0x0, s9  }
0x2b: {  	[tilespmem:s25], [sflag:$0x3] =	stream.linear.gather @!p1 [hbm4b:s2+s21], $0x2000, $0x38;
	[tilespmem:$0x1FF00] =	vst v63  }
0x2c: {  	s2 =	sadd.s32 @!p1 $0x8000, s23;
	s23 =	simm.s32 @!p1 $0x1DF00  }
0x2d: {  	[tilespmem:s23], [sflag:$0x3] =	stream.linear.gather @!p1 [hbm4b:s2+s21], $0x2000, $0x38;
	[tilespmem:$0x1FF00] =	vst v63  }
0x2e: {  	s2 =	simm.s32 @!p2 $0x1  }
0x2f: {  	_ =	swait.ge @!p2 [sflag:s2], $0x40  }
0x30: {  	[sflag:s2] =	ssyncset.done @!p2 $0x0  }
0x31: {  	[sflag:s2] =	ssyncadd.s32 @!p2 $0xFFFFFFC0  }
0x32: {  	_ =	swait.ge @!p2 [sflag:s2], $0x40  }
0x33: {  	[sflag:s2] =	ssyncset.done @!p2 $0x0  }
0x34: {  	[sflag:s2] =	ssyncadd.s32 @!p2 $0xFFFFFFC0  }
0x35: {  	_ =	swait.ge @!p2 [sflag:s2], $0x2000  }
0x36: {  	[sflag:s2] =	ssyncset.done @!p2 $0x0  }
0x37: {  	[sflag:s2] =	ssyncadd.s32 @!p2 $0xFFFFE000  }
0x38: {  	_ =	swait.ge @!p2 [sflag:s2], $0x2000  }
0x39: {  	[sflag:s2] =	ssyncset.done @!p2 $0x0  }
0x3a: {  	[sflag:s2] =	ssyncadd.s32 @!p2 $0xFFFFE000;
	s2 =	simm.s32 @!p2 $0x40  }
0x3b: {  	[spmem:s1] =	stream.indirect.scatter.add.f32 @!p2 [tilespmem:s0], [sflag:$0x4], $0x80, s17, s2, $0xb8;
	[tilespmem:$0x1FF00] =	vst v63  }
0x3c: {  	s0 =	simm.s32 @!p0 $0x2  }
0x3d: {  	[spmem:s1] =	stream.indirect.scatter.add.f32 @!p2 [tilespmem:s16], [sflag:$0x4], $0x80, s4, s2, $0xb8;
	[tilespmem:$0x1FF00] =	vst v63  }
0x3e: {  	_ =	swait.ge @!p0 [sflag:s0], $0x40  }
0x3f: {  	[sflag:s0] =	ssyncset.done @!p0 $0x0  }
0x40: {  	[sflag:s0] =	ssyncadd.s32 @!p0 $0xFFFFFFC0  }
0x41: {  	_ =	swait.ge @!p0 [sflag:s0], $0x40  }
0x42: {  	[sflag:s0] =	ssyncset.done @!p0 $0x0  }
0x43: {  	[sflag:s0] =	ssyncadd.s32 @!p0 $0xFFFFFFC0  }
0x44: {  	_ =	swait.ge @!p0 [sflag:s0], $0x2000  }
0x45: {  	[sflag:s0] =	ssyncset.done @!p0 $0x0  }
0x46: {  	[sflag:s0] =	ssyncadd.s32 @!p0 $0xFFFFE000  }
0x47: {  	_ =	swait.ge @!p0 [sflag:s0], $0x2000  }
0x48: {  	[sflag:s0] =	ssyncset.done @!p0 $0x0  }
0x49: {  	[sflag:s0] =	ssyncadd.s32 @!p0 $0xFFFFE000;
	s0 =	simm.s32 @!p0 $0x40  }
0x4a: {  	[spmem:s1] =	stream.indirect.scatter.add.f32 @!p0 [tilespmem:s7], [sflag:$0x5], $0x80, s19, s0, $0xb8;
	[tilespmem:$0x1FF00] =	vst v63  }
0x4b: {  	_ = 	snop  }
0x4c: {  	[spmem:s1] =	stream.indirect.scatter.add.f32 @!p0 [tilespmem:s20], [sflag:$0x5], $0x80, s18, s0, $0xb8;
	[tilespmem:$0x1FF00] =	vst v63  }
0x4d: {  	s0 =	simm.s32 @!p1 $0x3  }
0x4e: {  	_ =	swait.ge @!p1 [sflag:s0], $0x40  }
0x4f: {  	[sflag:s0] =	ssyncset.done @!p1 $0x0  }
0x50: {  	[sflag:s0] =	ssyncadd.s32 @!p1 $0xFFFFFFC0  }
0x51: {  	_ =	swait.ge @!p1 [sflag:s0], $0x40  }
0x52: {  	[sflag:s0] =	ssyncset.done @!p1 $0x0  }
0x53: {  	[sflag:s0] =	ssyncadd.s32 @!p1 $0xFFFFFFC0  }
0x54: {  	_ =	swait.ge @!p1 [sflag:s0], $0x2000  }
0x55: {  	[sflag:s0] =	ssyncset.done @!p1 $0x0  }
0x56: {  	[sflag:s0] =	ssyncadd.s32 @!p1 $0xFFFFE000  }
0x57: {  	_ =	swait.ge @!p1 [sflag:s0], $0x2000  }
0x58: {  	[sflag:s0] =	ssyncset.done @!p1 $0x0  }
0x59: {  	s2 =	simm.s32 @!p1 $0x40;
	[sflag:s0] =	ssyncadd.s32 @!p1 $0xFFFFE000  }
0x5a: {  	[spmem:s1] =	stream.indirect.scatter.add.f32 @!p1 [tilespmem:s25], [sflag:$0x6], $0x80, s24, s2, $0xb8;
	[tilespmem:$0x1FF00] =	vst v63  }
0x5b: {  	s4 =	simm.s32 @!p2 $0x4  }
0x5c: {  	[spmem:s1] =	stream.indirect.scatter.add.f32 @!p1 [tilespmem:s23], [sflag:$0x6], $0x80, s22, s2, $0xb8;
	[tilespmem:$0x1FF00] =	vst v63  }
0x5d: {  	_ =	swait.ge @!p2 [sflag:s4], $0x2000  }
0x5e: {  	[sflag:s4] =	ssyncset.done @!p2 $0x0  }
0x5f: {  	[sflag:s4] =	ssyncadd.s32 @!p2 $0xFFFFE000  }
0x60: {  	_ =	swait.ge @!p2 [sflag:s4], $0x2000  }
0x61: {  	[sflag:s4] =	ssyncset.done @!p2 $0x0  }
0x62: {  	s0 =	simm.s32 @!p0 $0x5;
	[sflag:s4] =	ssyncadd.s32 @!p2 $0xFFFFE000  }
0x63: {  	_ =	swait.ge @!p0 [sflag:s0], $0x2000  }
0x64: {  	s21 =	simm.s32 @!p1 $0x6;
	s17 =	sadd.s32 $0x180, s13;
	[sflag:s0] =	ssyncset.done @!p0 $0x0  }
0x65: {  	s16 =	simm.s32 $0xC000;
	s19 =	simm.s32 $0x30;
	[sflag:s0] =	ssyncadd.s32 @!p0 $0xFFFFE000  }
0x66: {  	s20 =	simm.s32 $0x18000;
	s18 =	sadd.s32 $0x180, s12;
	_ =	swait.ge @!p0 [sflag:s0], $0x2000  }
.LBB2_2:
0x67: {  	p3 =	sge.u32 s19, s6  }
0x68: {  	[sflag:s0] =	ssyncset.done @!p0 $0x0;
	s7 =	smov.u32 s20;
	s20 =	sadd.s32 $0xC000, s20  }
0x69: {  	s2 =	sadd.s32 @!p3 s17, s11;
	s24 =	simm.s32 @!p3 $0x0;
	[sflag:s0] =	ssyncadd.s32 @!p0 $0xFFFFE000  }
0x6a: {  	p2 =	sne.s32 s20, $0x27C000;
	s22 =	simm.s32 @!p3 $0x13C00;
	_ =	swait.ge @!p1 [sflag:s21], $0x2000  }
0x6b: {  	[sflag:s21] =	ssyncset.done @!p1 $0x0  }
0x6c: {  	[sflag:s21] =	ssyncadd.s32 @!p1 $0xFFFFE000  }
0x6d: {  	s0 =	sadd.s32 @!p3 s16, s10;
	_ =	swait.ge @!p1 [sflag:s21], $0x2000  }
0x6e: {  	s23 =	sadd.s32 $0x10, s19;
	s25 =	simm.s32 @!p3 $0x15F00;
	[sflag:s21] =	ssyncset.done @!p1 $0x0  }
0x6f: {  	s31 =	simm.s32 @!p3 $0x13F00;
	s26 =	sadd.s32 @!p3 s16, s9;
	[sflag:s21] =	ssyncadd.s32 @!p1 $0xFFFFE000  }
0x70: {  	[tilespmem:s22], [sflag:$0x1] =	stream.linear.gather @!p3 [hbm4b:s2+s24], $0x40, $0x38;
	[tilespmem:$0x1FF00] =	vst v63  }
0x71: {  	s4 =	simm.s32 @!p3 $0x13C80;
	p0 =	sge.u32 s23, s6;
	s2 =	sadd.s32 @!p3 s18, s11  }
0x72: {  	[tilespmem:s4], [sflag:$0x1] =	stream.linear.gather @!p3 [hbm4b:s2+s24], $0x40, $0x38;
	[tilespmem:$0x1FF00] =	vst v63  }
0x73: {  	s28 =	sadd.s32 @!p0 s16, s10;
	s21 =	sadd.s32 @!p0 s18, s11;
	s2 =	sadd.s32 @!p0 s17, s11  }
0x74: {  	[tilespmem:s31], [sflag:$0x1] =	stream.linear.gather @!p3 [hbm4b:s0+s24], $0x2000, $0x38;
	[tilespmem:$0x1FF00] =	vst v63  }
0x75: {  	s29 =	simm.s32 @!p0 $0x0;
	s23 =	simm.s32 @!p0 $0x13D00;
	s0 =	sadd.s32 @!p0 $0x80, s2  }
0x76: {  	[tilespmem:s25], [sflag:$0x1] =	stream.linear.gather @!p3 [hbm4b:s26+s24], $0x2000, $0x38;
	[tilespmem:$0x1FF00] =	vst v63  }
0x77: {  	s2 =	sadd.s32 @!p0 $0x80, s21;
	s21 =	sadd.s32 @!p0 $0x4000, s28;
	s26 =	simm.s32 @!p0 $0x13D80  }
0x78: {  	[tilespmem:s23], [sflag:$0x2] =	stream.linear.gather @!p0 [hbm4b:s0+s29], $0x40, $0x38;
	[tilespmem:$0x1FF00] =	vst v63  }
0x79: {  	s28 =	sadd.s32 $0x20, s19;
	s24 =	sadd.s32 @!p0 s16, s9;
	s0 =	simm.s32 @!p0 $0x17F00  }
0x7a: {  	[tilespmem:s26], [sflag:$0x2] =	stream.linear.gather @!p0 [hbm4b:s2+s29], $0x40, $0x38;
	[tilespmem:$0x1FF00] =	vst v63  }
0x7b: {  	p1 =	sge.u32 s28, s6;
	s24 =	sadd.s32 @!p0 $0x4000, s24;
	s2 =	simm.s32 @!p0 $0x19F00  }
0x7c: {  	s28 =	sadd.s32 @!p1 s17, s11;
	s30 =	sadd.s32 @!p1 s18, s11;
	s8 =	sadd.s32 @!p1 s16, s10  }
0x7d: {  	[tilespmem:s0], [sflag:$0x2] =	stream.linear.gather @!p0 [hbm4b:s21+s29], $0x2000, $0x38;
	[tilespmem:$0x1FF00] =	vst v63  }
0x7e: {  	s30 =	sadd.s32 @!p1 $0x100, s30;
	s8 =	sadd.s32 @!p1 $0x8000, s8;
	s21 =	sadd.s32 @!p1 $0x100, s28  }
0x7f: {  	[tilespmem:s2], [sflag:$0x2] =	stream.linear.gather @!p0 [hbm4b:s24+s29], $0x2000, $0x38;
	[tilespmem:$0x1FF00] =	vst v63  }
0x80: {  	s5 =	simm.s32 @!p1 $0x0;
	s16 =	sadd.s32 @!p1 s16, s9;
	s24 =	simm.s32 @!p1 $0x13E00  }
0x81: {  	[tilespmem:s24], [sflag:$0x3] =	stream.linear.gather @!p1 [hbm4b:s21+s5], $0x40, $0x38;
	[tilespmem:$0x1FF00] =	vst v63  }
0x82: {  	s14 =	sadd.s32 @!p1 $0x8000, s16;
	s28 =	simm.s32 @!p1 $0x13E80;
	s29 =	simm.s32 @!p1 $0x1BF00  }
0x83: {  	[tilespmem:s28], [sflag:$0x3] =	stream.linear.gather @!p1 [hbm4b:s30+s5], $0x40, $0x38;
	[tilespmem:$0x1FF00] =	vst v63  }
0x84: {  	s16 =	smov.u32 s7;
	s21 =	simm.s32 @!p1 $0x6;
	s30 =	simm.s32 @!p1 $0x1DF00  }
0x85: {  	[tilespmem:s29], [sflag:$0x3] =	stream.linear.gather @!p1 [hbm4b:s8+s5], $0x2000, $0x38;
	[tilespmem:$0x1FF00] =	vst v63  }
0x86: {  	s7 =	simm.s32 @!p3 $0x1  }
0x87: {  	[tilespmem:s30], [sflag:$0x3] =	stream.linear.gather @!p1 [hbm4b:s14+s5], $0x2000, $0x38;
	[tilespmem:$0x1FF00] =	vst v63  }
0x88: {  	_ =	swait.ge @!p3 [sflag:s7], $0x40  }
0x89: {  	[sflag:s7] =	ssyncset.done @!p3 $0x0  }
0x8a: {  	[sflag:s7] =	ssyncadd.s32 @!p3 $0xFFFFFFC0  }
0x8b: {  	_ =	swait.ge @!p3 [sflag:s7], $0x40  }
0x8c: {  	s5 =	simm.s32 @!p3 $0x40;
	[sflag:s7] =	ssyncset.done @!p3 $0x0  }
0x8d: {  	[sflag:s7] =	ssyncadd.s32 @!p3 $0xFFFFFFC0  }
0x8e: {  	_ =	swait.ge @!p3 [sflag:s7], $0x2000  }
0x8f: {  	[sflag:s7] =	ssyncset.done @!p3 $0x0  }
0x90: {  	[sflag:s7] =	ssyncadd.s32 @!p3 $0xFFFFE000  }
0x91: {  	_ =	swait.ge @!p3 [sflag:s7], $0x2000  }
0x92: {  	s8 =	simm.s32 @!p0 $0x2;
	[sflag:s7] =	ssyncset.done @!p3 $0x0  }
0x93: {  	[sflag:s7] =	ssyncadd.s32 @!p3 $0xFFFFE000  }
0x94: {  	[spmem:s1] =	stream.indirect.scatter.add.f32 @!p3 [tilespmem:s31], [sflag:$0x4], $0x80, s4, s5, $0xb8;
	[tilespmem:$0x1FF00] =	vst v63  }
0x95: {  	_ = 	snop  }
0x96: {  	[spmem:s1] =	stream.indirect.scatter.add.f32 @!p3 [tilespmem:s25], [sflag:$0x4], $0x80, s22, s5, $0xb8;
	[tilespmem:$0x1FF00] =	vst v63  }
0x97: {  	_ =	swait.ge @!p0 [sflag:s8], $0x40  }
0x98: {  	[sflag:s8] =	ssyncset.done @!p0 $0x0  }
0x99: {  	[sflag:s8] =	ssyncadd.s32 @!p0 $0xFFFFFFC0  }
0x9a: {  	_ =	swait.ge @!p0 [sflag:s8], $0x40  }
0x9b: {  	[sflag:s8] =	ssyncset.done @!p0 $0x0  }
0x9c: {  	[sflag:s8] =	ssyncadd.s32 @!p0 $0xFFFFFFC0  }
0x9d: {  	s4 =	simm.s32 @!p0 $0x40;
	_ =	swait.ge @!p0 [sflag:s8], $0x2000  }
0x9e: {  	[sflag:s8] =	ssyncset.done @!p0 $0x0  }
0x9f: {  	[sflag:s8] =	ssyncadd.s32 @!p0 $0xFFFFE000  }
0xa0: {  	_ =	swait.ge @!p0 [sflag:s8], $0x2000  }
0xa1: {  	[sflag:s8] =	ssyncset.done @!p0 $0x0  }
0xa2: {  	[sflag:s8] =	ssyncadd.s32 @!p0 $0xFFFFE000  }
0xa3: {  	[spmem:s1] =	stream.indirect.scatter.add.f32 @!p0 [tilespmem:s0], [sflag:$0x5], $0x80, s26, s4, $0xb8;
	[tilespmem:$0x1FF00] =	vst v63  }
0xa4: {  	s0 =	simm.s32 @!p1 $0x3  }
0xa5: {  	[spmem:s1] =	stream.indirect.scatter.add.f32 @!p0 [tilespmem:s2], [sflag:$0x5], $0x80, s23, s4, $0xb8;
	[tilespmem:$0x1FF00] =	vst v63  }
0xa6: {  	_ =	swait.ge @!p1 [sflag:s0], $0x40  }
0xa7: {  	[sflag:s0] =	ssyncset.done @!p1 $0x0  }
0xa8: {  	[sflag:s0] =	ssyncadd.s32 @!p1 $0xFFFFFFC0  }
0xa9: {  	_ =	swait.ge @!p1 [sflag:s0], $0x40  }
0xaa: {  	[sflag:s0] =	ssyncset.done @!p1 $0x0  }
0xab: {  	[sflag:s0] =	ssyncadd.s32 @!p1 $0xFFFFFFC0  }
0xac: {  	_ =	swait.ge @!p1 [sflag:s0], $0x2000  }
0xad: {  	[sflag:s0] =	ssyncset.done @!p1 $0x0  }
0xae: {  	[sflag:s0] =	ssyncadd.s32 @!p1 $0xFFFFE000  }
0xaf: {  	_ =	swait.ge @!p1 [sflag:s0], $0x2000  }
0xb0: {  	s2 =	simm.s32 @!p1 $0x40;
	s4 =	simm.s32 @!p3 $0x4;
	[sflag:s0] =	ssyncset.done @!p1 $0x0  }
0xb1: {  	[sflag:s0] =	ssyncadd.s32 @!p1 $0xFFFFE000  }
0xb2: {  	[spmem:s1] =	stream.indirect.scatter.add.f32 @!p1 [tilespmem:s29], [sflag:$0x6], $0x80, s28, s2, $0xb8;
	[tilespmem:$0x1FF00] =	vst v63  }
0xb3: {  	_ = 	snop  }
0xb4: {  	[spmem:s1] =	stream.indirect.scatter.add.f32 @!p1 [tilespmem:s30], [sflag:$0x6], $0x80, s24, s2, $0xb8;
	[tilespmem:$0x1FF00] =	vst v63  }
0xb5: {  	s0 =	simm.s32 @!p0 $0x5;
	_ =	swait.ge @!p3 [sflag:s4], $0x2000  }
0xb6: {  	[sflag:s4] =	ssyncset.done @!p3 $0x0  }
0xb7: {  	[sflag:s4] =	ssyncadd.s32 @!p3 $0xFFFFE000  }
0xb8: {  	_ =	swait.ge @!p3 [sflag:s4], $0x2000  }
0xb9: {  	[sflag:s4] =	ssyncset.done @!p3 $0x0  }
.Ltmp0:
0xba: {  	[sflag:s4] =	ssyncadd.s32 @!p3 $0xFFFFE000;
	(pc) =	sbr.rel @p2 .LBB2_2-.Ltmp0, $4  }
0xbb: {  	_ =	swait.ge @!p0 [sflag:s0], $0x2000  }
0xbc: {  	[sflag:s0] =	ssyncset.done @!p0 $0x0  }
0xbd: {  	s17 =	sadd.s32 $0x180, s17;
	[sflag:s0] =	ssyncadd.s32 @!p0 $0xFFFFE000  }
0xbe: {  	s19 =	sadd.s32 $0x30, s19;
	s18 =	sadd.s32 $0x180, s18;
	_ =	swait.ge @!p0 [sflag:s0], $0x2000  }
0xbf: {  	[sflag:s0] =	ssyncset.done @!p0 $0x0  }
0xc0: {  	[sflag:s0] =	ssyncadd.s32 @!p0 $0xFFFFE000  }
0xc1: {  	_ =	swait.ge @!p1 [sflag:s21], $0x2000  }
0xc2: {  	[sflag:s21] =	ssyncset.done @!p1 $0x0  }
0xc3: {  	s8 =	sadd.s32 $0x10, s19;
	s29 =	sadd.s32 $0x20, s19;
	[sflag:s21] =	ssyncadd.s32 @!p1 $0xFFFFE000  }
0xc4: {  	p0 =	sge.u32 s19, s6;
	p2 =	sge.u32 s29, s6;
	_ =	swait.ge @!p1 [sflag:s21], $0x2000  }
0xc5: {  	s4 =	sadd.s32 @!p0 s17, s11;
	s5 =	simm.s32 @!p0 $0x0;
	[sflag:s21] =	ssyncset.done @!p1 $0x0  }
0xc6: {  	s0 =	simm.s32 @!p0 $0x13C00;
	s7 =	sadd.s32 @!p0 s16, s10;
	[sflag:s21] =	ssyncadd.s32 @!p1 $0xFFFFE000  }
0xc7: {  	[tilespmem:s0], [sflag:$0x1] =	stream.linear.gather @!p0 [hbm4b:s4+s5], $0x40, $0x38;
	[tilespmem:$0x1FF00] =	vst v63  }
0xc8: {  	s2 =	simm.s32 @!p0 $0x15F00;
	s20 =	simm.s32 @!p0 $0x13C80;
	s4 =	sadd.s32 @!p0 s18, s11  }
0xc9: {  	[tilespmem:s20], [sflag:$0x1] =	stream.linear.gather @!p0 [hbm4b:s4+s5], $0x40, $0x38;
	[tilespmem:$0x1FF00] =	vst v63  }
0xca: {  	s14 =	simm.s32 @!p0 $0x13F00;
	s19 =	simm.s32 @!p2 $0x13E00;
	p1 =	sge.u32 s8, s6  }
0xcb: {  	[tilespmem:s14], [sflag:$0x1] =	stream.linear.gather @!p0 [hbm4b:s7+s5], $0x2000, $0x38;
	[tilespmem:$0x1FF00] =	vst v63  }
0xcc: {  	s8 =	sadd.s32 @!p1 s17, s11;
	s21 =	sadd.s32 @!p1 s18, s11;
	s4 =	sadd.s32 @!p0 s16, s9  }
0xcd: {  	[tilespmem:s2], [sflag:$0x1] =	stream.linear.gather @!p0 [hbm4b:s4+s5], $0x2000, $0x38;
	[tilespmem:$0x1FF00] =	vst v63  }
0xce: {  	s22 =	simm.s32 @!p1 $0x0;
	s8 =	sadd.s32 @!p1 $0x80, s8;
	s4 =	simm.s32 @!p1 $0x13D00  }
0xcf: {  	[tilespmem:s4], [sflag:$0x2] =	stream.linear.gather @!p1 [hbm4b:s8+s22], $0x40, $0x38;
	[tilespmem:$0x1FF00] =	vst v63  }
0xd0: {  	s7 =	sadd.s32 @!p1 s16, s10;
	s5 =	sadd.s32 @!p1 $0x80, s21;
	s21 =	simm.s32 @!p1 $0x13D80  }
0xd1: {  	[tilespmem:s21], [sflag:$0x2] =	stream.linear.gather @!p1 [hbm4b:s5+s22], $0x40, $0x38;
	[tilespmem:$0x1FF00] =	vst v63  }
0xd2: {  	s7 =	sadd.s32 @!p1 $0x4000, s7;
	s8 =	sadd.s32 @!p1 s16, s9;
	s5 =	simm.s32 @!p1 $0x17F00  }
0xd3: {  	[tilespmem:s5], [sflag:$0x2] =	stream.linear.gather @!p1 [hbm4b:s7+s22], $0x2000, $0x38;
	[tilespmem:$0x1FF00] =	vst v63  }
0xd4: {  	s17 =	sadd.s32 @!p2 s17, s11;
	s8 =	sadd.s32 @!p1 $0x4000, s8;
	s7 =	simm.s32 @!p1 $0x19F00  }
0xd5: {  	[tilespmem:s7], [sflag:$0x2] =	stream.linear.gather @!p1 [hbm4b:s8+s22], $0x2000, $0x38;
	[tilespmem:$0x1FF00] =	vst v63  }
0xd6: {  	s18 =	sadd.s32 @!p2 s18, s11;
	s8 =	sadd.s32 @!p2 $0x100, s17;
	s17 =	simm.s32 @!p2 $0x0  }
0xd7: {  	[tilespmem:s19], [sflag:$0x3] =	stream.linear.gather @!p2 [hbm4b:s8+s17], $0x40, $0x38;
	[tilespmem:$0x1FF00] =	vst v63  }
0xd8: {  	s18 =	sadd.s32 @!p2 $0x100, s18;
	s22 =	simm.s32 @!p2 $0x13E80;
	s8 =	sadd.s32 @!p2 s16, s10  }
0xd9: {  	[tilespmem:s22], [sflag:$0x3] =	stream.linear.gather @!p2 [hbm4b:s18+s17], $0x40, $0x38;
	[tilespmem:$0x1FF00] =	vst v63  }
0xda: {  	s16 =	sadd.s32 @!p2 s16, s9;
	s8 =	sadd.s32 @!p2 $0x8000, s8;
	s18 =	simm.s32 @!p2 $0x1BF00  }
0xdb: {  	[tilespmem:s18], [sflag:$0x3] =	stream.linear.gather @!p2 [hbm4b:s8+s17], $0x2000, $0x38;
	[tilespmem:$0x1FF00] =	vst v63  }
0xdc: {  	s8 =	sadd.s32 @!p2 $0x8000, s16;
	s16 =	simm.s32 @!p2 $0x1DF00  }
0xdd: {  	[tilespmem:s16], [sflag:$0x3] =	stream.linear.gather @!p2 [hbm4b:s8+s17], $0x2000, $0x38;
	[tilespmem:$0x1FF00] =	vst v63  }
0xde: {  	s8 =	simm.s32 @!p0 $0x1  }
0xdf: {  	_ =	swait.ge @!p0 [sflag:s8], $0x40  }
0xe0: {  	[sflag:s8] =	ssyncset.done @!p0 $0x0  }
0xe1: {  	[sflag:s8] =	ssyncadd.s32 @!p0 $0xFFFFFFC0  }
0xe2: {  	_ =	swait.ge @!p0 [sflag:s8], $0x40  }
0xe3: {  	[sflag:s8] =	ssyncset.done @!p0 $0x0  }
0xe4: {  	[sflag:s8] =	ssyncadd.s32 @!p0 $0xFFFFFFC0  }
0xe5: {  	_ =	swait.ge @!p0 [sflag:s8], $0x2000  }
0xe6: {  	[sflag:s8] =	ssyncset.done @!p0 $0x0  }
0xe7: {  	[sflag:s8] =	ssyncadd.s32 @!p0 $0xFFFFE000  }
0xe8: {  	_ =	swait.ge @!p0 [sflag:s8], $0x2000  }
0xe9: {  	[sflag:s8] =	ssyncset.done @!p0 $0x0  }
0xea: {  	[sflag:s8] =	ssyncadd.s32 @!p0 $0xFFFFE000;
	s8 =	simm.s32 @!p0 $0x40  }
0xeb: {  	[spmem:s1] =	stream.indirect.scatter.add.f32 @!p0 [tilespmem:s14], [sflag:$0x4], $0x80, s20, s8, $0xb8;
	[tilespmem:$0x1FF00] =	vst v63  }
0xec: {  	_ = 	snop  }
0xed: {  	[spmem:s1] =	stream.indirect.scatter.add.f32 @!p0 [tilespmem:s2], [sflag:$0x4], $0x80, s0, s8, $0xb8;
	[tilespmem:$0x1FF00] =	vst v63  }
0xee: {  	s0 =	simm.s32 @!p1 $0x2  }
0xef: {  	_ =	swait.ge @!p1 [sflag:s0], $0x40  }
0xf0: {  	[sflag:s0] =	ssyncset.done @!p1 $0x0  }
0xf1: {  	[sflag:s0] =	ssyncadd.s32 @!p1 $0xFFFFFFC0  }
0xf2: {  	_ =	swait.ge @!p1 [sflag:s0], $0x40  }
0xf3: {  	[sflag:s0] =	ssyncset.done @!p1 $0x0  }
0xf4: {  	[sflag:s0] =	ssyncadd.s32 @!p1 $0xFFFFFFC0  }
0xf5: {  	_ =	swait.ge @!p1 [sflag:s0], $0x2000  }
0xf6: {  	[sflag:s0] =	ssyncset.done @!p1 $0x0  }
0xf7: {  	[sflag:s0] =	ssyncadd.s32 @!p1 $0xFFFFE000  }
0xf8: {  	_ =	swait.ge @!p1 [sflag:s0], $0x2000  }
0xf9: {  	[sflag:s0] =	ssyncset.done @!p1 $0x0  }
0xfa: {  	[sflag:s0] =	ssyncadd.s32 @!p1 $0xFFFFE000;
	s0 =	simm.s32 @!p1 $0x40  }
0xfb: {  	[spmem:s1] =	stream.indirect.scatter.add.f32 @!p1 [tilespmem:s5], [sflag:$0x5], $0x80, s21, s0, $0xb8;
	[tilespmem:$0x1FF00] =	vst v63  }
0xfc: {  	_ = 	snop  }
0xfd: {  	[spmem:s1] =	stream.indirect.scatter.add.f32 @!p1 [tilespmem:s7], [sflag:$0x5], $0x80, s4, s0, $0xb8;
	[tilespmem:$0x1FF00] =	vst v63  }
0xfe: {  	s0 =	simm.s32 @!p2 $0x3  }
0xff: {  	_ =	swait.ge @!p2 [sflag:s0], $0x40  }
0x100: {  	[sflag:s0] =	ssyncset.done @!p2 $0x0  }
0x101: {  	[sflag:s0] =	ssyncadd.s32 @!p2 $0xFFFFFFC0  }
0x102: {  	_ =	swait.ge @!p2 [sflag:s0], $0x40  }
0x103: {  	[sflag:s0] =	ssyncset.done @!p2 $0x0  }
0x104: {  	[sflag:s0] =	ssyncadd.s32 @!p2 $0xFFFFFFC0  }
0x105: {  	_ =	swait.ge @!p2 [sflag:s0], $0x2000  }
0x106: {  	[sflag:s0] =	ssyncset.done @!p2 $0x0  }
0x107: {  	[sflag:s0] =	ssyncadd.s32 @!p2 $0xFFFFE000  }
0x108: {  	_ =	swait.ge @!p2 [sflag:s0], $0x2000  }
0x109: {  	[sflag:s0] =	ssyncset.done @!p2 $0x0  }
0x10a: {  	[sflag:s0] =	ssyncadd.s32 @!p2 $0xFFFFE000;
	s0 =	simm.s32 @!p2 $0x40  }
0x10b: {  	[spmem:s1] =	stream.indirect.scatter.add.f32 @!p2 [tilespmem:s18], [sflag:$0x6], $0x80, s22, s0, $0xb8;
	[tilespmem:$0x1FF00] =	vst v63  }
0x10c: {  	_ = 	snop  }
0x10d: {  	[spmem:s1] =	stream.indirect.scatter.add.f32 @!p2 [tilespmem:s16], [sflag:$0x6], $0x80, s19, s0, $0xb8;
	[tilespmem:$0x1FF00] =	vst v63  }
0x10e: {  	s0 =	simm.s32 @!p0 $0x4  }
0x10f: {  	_ =	swait.ge @!p0 [sflag:s0], $0x2000  }
0x110: {  	[sflag:s0] =	ssyncset.done @!p0 $0x0  }
0x111: {  	[sflag:s0] =	ssyncadd.s32 @!p0 $0xFFFFE000  }
0x112: {  	_ =	swait.ge @!p0 [sflag:s0], $0x2000  }
0x113: {  	[sflag:s0] =	ssyncset.done @!p0 $0x0  }
0x114: {  	[sflag:s0] =	ssyncadd.s32 @!p0 $0xFFFFE000;
	s0 =	simm.s32 @!p1 $0x5  }
0x115: {  	_ =	swait.ge @!p1 [sflag:s0], $0x2000  }
0x116: {  	[sflag:s0] =	ssyncset.done @!p1 $0x0  }
0x117: {  	[sflag:s0] =	ssyncadd.s32 @!p1 $0xFFFFE000  }
0x118: {  	_ =	swait.ge @!p1 [sflag:s0], $0x2000  }
0x119: {  	[sflag:s0] =	ssyncset.done @!p1 $0x0  }
0x11a: {  	[sflag:s0] =	ssyncadd.s32 @!p1 $0xFFFFE000;
	s0 =	simm.s32 @!p2 $0x6  }
0x11b: {  	_ =	swait.ge @!p2 [sflag:s0], $0x2000  }
0x11c: {  	[sflag:s0] =	ssyncset.done @!p2 $0x0  }
0x11d: {  	[sflag:s0] =	ssyncadd.s32 @!p2 $0xFFFFE000  }
0x11e: {  	_ =	swait.ge @!p2 [sflag:s0], $0x2000  }
0x11f: {  	[sflag:s0] =	ssyncset.done @!p2 $0x0  }
0x120: {  	[sflag:s0] =	ssyncadd.s32 @!p2 $0xFFFFE000  }
0x121: {  	[bflag:$0x0] =	sbarrier.arrive $0xFFFF  }
0x122: {  	s5 =	rddreg [dreg:$0x5]  }
0x123: {  	s30 =	rddreg [dreg:$0x6]  }
0x124: {  	s2 =	rddreg [dreg:$0x8]  }
0x125: {  	[hbm:s30], [sflag:s5] =	dma.local [spmem:s2], $0x2780  }
0x126: {  	_ =	swait.ge [sflag:s15], $0x2780  }
0x127: {  	s3 =	sadd.s32 $0x1, s3;
	s31 =	rddreg [dreg:$0x7]  }
0x128: {  	p0 =	sne.s32 s3, s31  }
.Ltmp1:
0x129: {  	_ = 	snop;
	(pc) =	sbr.rel @p0 .LBB2_1-.Ltmp1, $3  }
0x12a: {  	_ =	sdelay $0x1  }
0x12b: {  	[sflag:s15] =	ssyncset.done $0x0  }
0x12c: {  	[sflag:s15] =	ssyncadd.s32 $0xFFFFD880  }
0x12d: {  	_ =	sfence.sel $0x180000  }
0x12e: {  	[bflag:$0x0] =	sbarrier.arrive $0xFFFF  }
0x12f: {  	_ =	strace $0x9000004A  }
0x130: {  	s0 =	stileid.u32;
	[bflag:$0x2] =	sbarrier.arrive $0xFFFF  }
0x131: {  	p0 =	sne.s32 s0, $0x0;
	s0 =	rddreg [dreg:$0x3]  }
0x132: {  	s0 =	sadd.s32 @!p0 $0x100000, s0  }
0x133: {  	[sflag:s0] =	ssyncadd.tile.s32 @!p0 $0x1;
	_ =	shalt  }
.Lfunc_end2:
_tile_overlayer_lowered:
.L_overlay_start_2:
0x134: {  	(tag) =	ssettag $0x2  }
0x135: {  	s0 =	rddreg [dreg:$0x0];
	s2 =	stileid.u32  }
0x136: {  	s1 =	rddreg [dreg:$0x1];
	p0 =	sne.s32 s2, $0x0  }
0x137: {  	s3 =	rddreg [dreg:$0x2];
	[bflag:$0x3] =	sbarrier.arrive $0xFFFF;
	s2 =	simm.s32 @!p0 $0x1C07  }
0x138: {  	[timem:s3], [sflag:s2] =	dma.local @!p0 [hbm:s0], s1  }
0x139: {  	s0 =	simm.s32 @!p0 $0x7  }
0x13a: {  	_ =	swait.ge @!p0 [sflag:s0], s1  }
0x13b: {  	s1 =	ssub.s32 @!p0 $0x0, s1;
	[sflag:s0] =	ssyncset.done @!p0 $0x0  }
0x13c: {  	[sflag:s0] =	ssyncadd.s32 @!p0 s1  }
0x13d: {  	[bflag:$0x3] =	sbarrier.arrive $0xFFFF  }
0x13e: {  	_ =	shalt  }

</sc_bundles>
